<compile_context>
chip_gen: v7x
topology: tpu7x:2x2x1
jax: 0.10.2.dev20260603
libtpu: 0.0.44.dev20260713+nightly
codegen_flags: <defaults>
</compile_context>

<pallas_src>
import functools

import jax
import jax.numpy as jnp
from jax import lax
from jax.experimental import pallas as pl
from jax.experimental.pallas import tpu as pltpu
from jax.experimental.pallas import tpu_sc as plsc

EMBED = 64
HIDDEN = 256
OUT = 2
N_TOKENS = 16384
VOCAB = 1000000

NC = 2
NS = 16
NW = NC * NS
PER_TILE = N_TOKENS // NW
CHUNK = 128
NCH = PER_TILE // CHUNK
LANES = 16
BINS = 1 << 20
SLICE = BINS // NS
BK = 23808
NBLK = 42
TAIL = NBLK * BK


def _sc_hist(idx, zeros):
    mesh = plsc.VectorSubcoreMesh(core_axis_name="c", subcore_axis_name="s")

    @functools.partial(
        pl.kernel,
        mesh=mesh,
        out_type=jax.ShapeDtypeStruct((NC, BINS), jnp.float32),
        scratch_types=[
            pltpu.VMEM((NCH, CHUNK), jnp.int32),
            pltpu.VMEM((NCH, CHUNK), jnp.float32),
            pltpu.VMEM_SHARED((BINS,), jnp.float32),
            pltpu.SemaphoreType.DMA,
        ],
    )
    def k(idx_hbm, zeros_hbm, out_hbm, idx_v, ones_v, shared, sem):
        cid = lax.axis_index("c")
        sid = lax.axis_index("s")
        wid = sid * NC + cid

        pltpu.sync_copy(idx_hbm.at[wid], idx_v)
        for c in range(NCH):
            for g in range(CHUNK // LANES):
                ones_v[c, pl.ds(g * LANES, LANES)] = jnp.ones((LANES,), jnp.float32)

        pltpu.sync_copy(
            zeros_hbm.at[cid, pl.ds(sid * SLICE, SLICE)],
            shared.at[pl.ds(sid * SLICE, SLICE)],
        )
        plsc.subcore_barrier()

        for c in range(NCH):
            pltpu.sync_copy(ones_v.at[c], shared.at[idx_v.at[c]], add=True)
        plsc.subcore_barrier()

        pltpu.sync_copy(
            shared.at[pl.ds(sid * SLICE, SLICE)],
            out_hbm.at[cid, pl.ds(sid * SLICE, SLICE)],
        )

    return k(idx, zeros)


def _tc_matvec(tableT, counts):

    def mv_kernel(t_ref, c_ref, o_ref):
        k = pl.program_id(0)

        @pl.when(k == 0)
        def _():
            o_ref[...] = jnp.zeros_like(o_ref)

        c = c_ref[pl.ds(0, 1), :] + c_ref[pl.ds(1, 1), :]
        o_ref[...] += jnp.sum(t_ref[...] * c, axis=1, keepdims=True)

    return pl.pallas_call(
        mv_kernel,
        grid=(NBLK,),
        in_specs=[
            pl.BlockSpec((EMBED, BK), lambda k: (0, k)),
            pl.BlockSpec((NC, BK), lambda k: (0, k)),
        ],
        out_specs=pl.BlockSpec((EMBED, 1), lambda k: (0, 0)),
        out_shape=jax.ShapeDtypeStruct((EMBED, 1), jnp.float32),
    )(tableT, counts)


def _tc_mlp(partials, W1T, b1row, W2T, b2row):

    def mlp_kernel(p_ref, w1t_ref, b1_ref, w2t_ref, b2_ref, o_ref):
        avg = jnp.sum(p_ref[...], axis=0, keepdims=True) * (1.0 / N_TOKENS)
        h = jnp.maximum(jnp.dot(avg, w1t_ref[...]) + b1_ref[...], 0.0)
        o_ref[...] = jnp.dot(h, w2t_ref[...]) + b2_ref[...]

    return pl.pallas_call(
        mlp_kernel,
        out_shape=jax.ShapeDtypeStruct((1, OUT), jnp.float32),
    )(partials, W1T, b1row, W2T, b2row)


def kernel(indices, table, W1, b1, W2, b2):
    idx = indices.astype(jnp.int32).reshape(NW, NCH, CHUNK)
    zeros = jnp.zeros((NC, BINS), jnp.float32)
    counts = _sc_hist(idx, zeros)
    tableT = table.T
    mv = _tc_matvec(tableT, counts)
    ctail = counts[0, TAIL:VOCAB] + counts[1, TAIL:VOCAB]
    tail = jnp.sum(
        tableT[:, TAIL:] * ctail[None, :], axis=1, keepdims=True
    )
    partials = (mv + tail).T
    logits = _tc_mlp(partials, W1.T, b1[None, :], W2.T, b2[None, :])
    return logits.reshape(OUT)

# --- scband reference (transcript-rebuilt; emitter-appended) ---
"""Pipeline reference for scband-dannet-36404142801440 (READ-ONLY COPY).

The authoritative reference and input builder live on the scoring server;
editing this copy changes nothing except your own understanding.
"""

import jax, jax.numpy as jnp
import numpy as np

VOCAB = 1000000
EMBED = 64
HIDDEN = 256
OUT = 2
N_TOKENS = 16384


def setup_inputs(seed: int = 0) -> dict:
    key = jax.random.key(seed)
    k1, k2, k3, k4 = jax.random.split(key, 4)
    indices = jax.random.randint(k1, (N_TOKENS,), 0, VOCAB)
    table = jax.random.normal(k2, (VOCAB, EMBED), dtype=jnp.float32)
    W1 = jax.random.normal(k3, (HIDDEN, EMBED), dtype=jnp.float32) * 0.02
    b1 = jnp.zeros((HIDDEN,), dtype=jnp.float32)
    W2 = jax.random.normal(k4, (OUT, HIDDEN), dtype=jnp.float32) * 0.02
    b2 = jnp.zeros((OUT,), dtype=jnp.float32)
    return {"indices": indices, "table": table, "W1": W1, "b1": b1, "W2": W2, "b2": b2}


def reference(indices, table, W1, b1, W2, b2):
    # Embedding lookup (gather)
    E = jnp.take(table, indices, axis=0)  # [N_TOKENS, EMBED]
    # Deep averaging over token dimension (dim=0)
    avg = jnp.mean(E, axis=0)  # [EMBED]
    # fc1 + ReLU (dropout_p=0 -> identity)
    h = jnp.maximum(avg @ W1.T + b1, 0.0)  # [HIDDEN]
    # fc2
    logits = h @ W2.T + b2  # [OUT]
    return logits

if __name__ == "__main__":
    import jax
    _d = setup_inputs()
    print(jax.jit(kernel)(*tuple(_d.values())))

</pallas_src>

<mosaic_0001>
#map = affine_map<(d0, d1) -> (0, 0, 0)>
#map1 = affine_map<(d0, d1) -> (0, 0)>
module attributes {stable_mosaic.version = 14 : i64} {
  func.func @k(%arg0: i32, %arg1: i32, %arg2: memref<32x4x128xi32, #tpu.memory_space<hbm>>, %arg3: memref<2x1048576xf32, #tpu.memory_space<hbm>>, %arg4: memref<2x1048576xf32, #tpu.memory_space<hbm>>, %arg5: memref<4x128xi32, #tpu.memory_space<vmem>>, %arg6: memref<4x128xf32, #tpu.memory_space<vmem>>, %arg7: memref<1048576xf32, #tpu.memory_space<vmem_shared>>, %arg8: memref<!tpu.dma_semaphore, #tpu.memory_space<semaphore_mem>>) attributes {dimension_semantics = [#tpu.dimension_semantics<core_parallel>, #tpu.dimension_semantics<subcore_parallel>], iteration_bounds = array<i64: 2, 16>, scalar_prefetch = 0 : i64, scratch_operands = 4 : i64, tpu.core_type = #tpu.core_type<sc_vector_subcore>, window_params = [{transform_indices = #map}, {transform_indices = #map1}, {transform_indices = #map1}]} {
    %mul3A = arith.constant 2 : i32
    %mul3A_0 = arith.muli %arg1, %mul3A : i32
    %add3A = arith.addi %mul3A_0, %arg0 : i32
    "tpu.region"() ({
      %run_scoped3A_271 = tpu.sem_alloc : memref<!tpu.dma_semaphore, #tpu.memory_space<semaphore_mem>>
      %dma_start3A = arith.constant 0 : i32
      %dma_start3A_272 = arith.constant 0 : i32
      %dma_start3A_273 = tpu.memref_slice %arg2[%add3A, %dma_start3A, %dma_start3A_272] : memref<32x4x128xi32, #tpu.memory_space<hbm>> -> memref<1x4x128xi32, #tpu.memory_space<hbm>>
      %dma_start3A_274 = tpu.memref_squeeze %dma_start3A_273 : memref<1x4x128xi32, #tpu.memory_space<hbm>> -> memref<4x128xi32, #tpu.memory_space<hbm>>
      %dma_start3A_275 = arith.constant 0 : i32
      %dma_start3A_276 = arith.constant 0 : i32
      %dma_start3A_277 = tpu.memref_slice %arg2[%add3A, %dma_start3A_275, %dma_start3A_276] : memref<32x4x128xi32, #tpu.memory_space<hbm>> -> memref<1x4x128xi32, #tpu.memory_space<hbm>>
      %dma_start3A_278 = tpu.memref_squeeze %dma_start3A_277 : memref<1x4x128xi32, #tpu.memory_space<hbm>> -> memref<4x128xi32, #tpu.memory_space<hbm>>
      tpu.enqueue_dma source(%dma_start3A_278 : memref<4x128xi32, #tpu.memory_space<hbm>>) target(%arg5 : memref<4x128xi32, #tpu.memory_space<vmem>>) target_semaphore(%run_scoped3A_271 : memref<!tpu.dma_semaphore, #tpu.memory_space<semaphore_mem>>)
      %dma_wait3A = arith.constant 0 : i32
      %dma_wait3A_279 = arith.constant 0 : i32
      %dma_wait3A_280 = tpu.memref_slice %arg2[%add3A, %dma_wait3A, %dma_wait3A_279] : memref<32x4x128xi32, #tpu.memory_space<hbm>> -> memref<1x4x128xi32, #tpu.memory_space<hbm>>
      %dma_wait3A_281 = tpu.memref_squeeze %dma_wait3A_280 : memref<1x4x128xi32, #tpu.memory_space<hbm>> -> memref<4x128xi32, #tpu.memory_space<hbm>>
      %dma_wait3A_282 = arith.constant 0 : i32
      %dma_wait3A_283 = arith.constant 0 : i32
      %dma_wait3A_284 = tpu.memref_slice %arg2[%add3A, %dma_wait3A_282, %dma_wait3A_283] : memref<32x4x128xi32, #tpu.memory_space<hbm>> -> memref<1x4x128xi32, #tpu.memory_space<hbm>>
      %dma_wait3A_285 = tpu.memref_squeeze %dma_wait3A_284 : memref<1x4x128xi32, #tpu.memory_space<hbm>> -> memref<4x128xi32, #tpu.memory_space<hbm>>
      tpu.wait_dma2 semaphore(%run_scoped3A_271 : memref<!tpu.dma_semaphore, #tpu.memory_space<semaphore_mem>>) src(%dma_wait3A_285 : memref<4x128xi32, #tpu.memory_space<hbm>>) dst(%arg5 : memref<4x128xi32, #tpu.memory_space<vmem>>)
      tpu.yield
    }) : () -> ()
    %broadcast_in_dim3A = arith.constant 1.000000e+00 : f32
    %broadcast_in_dim3A_1 = vector.broadcast %broadcast_in_dim3A : f32 to vector<16xf32>
    %swap3A = arith.constant 0 : i32
    %swap3A_2 = arith.index_cast %swap3A : i32 to index
    %swap3A_3 = arith.constant 0 : index
    %swap3A_4 = tpu.vector_load %arg6[%swap3A_2, %swap3A_3] {strides = array<i32>} : memref<4x128xf32, #tpu.memory_space<vmem>>, vector<1x16xf32>,
    %swap3A_5 = vector.shape_cast %swap3A_4 : vector<1x16xf32> to vector<16xf32>
    %swap3A_6 = vector.shape_cast %broadcast_in_dim3A_1 : vector<16xf32> to vector<1x16xf32>
    tpu.vector_store %arg6[%swap3A_2, %swap3A_3], %swap3A_6 {strides = array<i32>} : memref<4x128xf32, #tpu.memory_space<vmem>>, vector<1x16xf32>,
    %broadcast_in_dim3A_7 = arith.constant 1.000000e+00 : f32
    %broadcast_in_dim3A_8 = vector.broadcast %broadcast_in_dim3A_7 : f32 to vector<16xf32>
    %swap3A_9 = arith.constant 0 : i32
    %swap3A_10 = arith.index_cast %swap3A_9 : i32 to index
    %swap3A_11 = arith.constant 16 : index
    %swap3A_12 = tpu.vector_load %arg6[%swap3A_10, %swap3A_11] {strides = array<i32>} : memref<4x128xf32, #tpu.memory_space<vmem>>, vector<1x16xf32>,
    %swap3A_13 = vector.shape_cast %swap3A_12 : vector<1x16xf32> to vector<16xf32>
    %swap3A_14 = vector.shape_cast %broadcast_in_dim3A_8 : vector<16xf32> to vector<1x16xf32>
    tpu.vector_store %arg6[%swap3A_10, %swap3A_11], %swap3A_14 {strides = array<i32>} : memref<4x128xf32, #tpu.memory_space<vmem>>, vector<1x16xf32>,
    %broadcast_in_dim3A_15 = arith.constant 1.000000e+00 : f32
    %broadcast_in_dim3A_16 = vector.broadcast %broadcast_in_dim3A_15 : f32 to vector<16xf32>
    %swap3A_17 = arith.constant 0 : i32
    %swap3A_18 = arith.index_cast %swap3A_17 : i32 to index
    %swap3A_19 = arith.constant 32 : index
    %swap3A_20 = tpu.vector_load %arg6[%swap3A_18, %swap3A_19] {strides = array<i32>} : memref<4x128xf32, #tpu.memory_space<vmem>>, vector<1x16xf32>,
    %swap3A_21 = vector.shape_cast %swap3A_20 : vector<1x16xf32> to vector<16xf32>
    %swap3A_22 = vector.shape_cast %broadcast_in_dim3A_16 : vector<16xf32> to vector<1x16xf32>
    tpu.vector_store %arg6[%swap3A_18, %swap3A_19], %swap3A_22 {strides = array<i32>} : memref<4x128xf32, #tpu.memory_space<vmem>>, vector<1x16xf32>,
    %broadcast_in_dim3A_23 = arith.constant 1.000000e+00 : f32
    %broadcast_in_dim3A_24 = vector.broadcast %broadcast_in_dim3A_23 : f32 to vector<16xf32>
    %swap3A_25 = arith.constant 0 : i32
    %swap3A_26 = arith.index_cast %swap3A_25 : i32 to index
    %swap3A_27 = arith.constant 48 : index
    %swap3A_28 = tpu.vector_load %arg6[%swap3A_26, %swap3A_27] {strides = array<i32>} : memref<4x128xf32, #tpu.memory_space<vmem>>, vector<1x16xf32>,
    %swap3A_29 = vector.shape_cast %swap3A_28 : vector<1x16xf32> to vector<16xf32>
    %swap3A_30 = vector.shape_cast %broadcast_in_dim3A_24 : vector<16xf32> to vector<1x16xf32>
    tpu.vector_store %arg6[%swap3A_26, %swap3A_27], %swap3A_30 {strides = array<i32>} : memref<4x128xf32, #tpu.memory_space<vmem>>, vector<1x16xf32>,
    %broadcast_in_dim3A_31 = arith.constant 1.000000e+00 : f32
    %broadcast_in_dim3A_32 = vector.broadcast %broadcast_in_dim3A_31 : f32 to vector<16xf32>
    %swap3A_33 = arith.constant 0 : i32
    %swap3A_34 = arith.index_cast %swap3A_33 : i32 to index
    %swap3A_35 = arith.constant 64 : index
    %swap3A_36 = tpu.vector_load %arg6[%swap3A_34, %swap3A_35] {strides = array<i32>} : memref<4x128xf32, #tpu.memory_space<vmem>>, vector<1x16xf32>,
    %swap3A_37 = vector.shape_cast %swap3A_36 : vector<1x16xf32> to vector<16xf32>
    %swap3A_38 = vector.shape_cast %broadcast_in_dim3A_32 : vector<16xf32> to vector<1x16xf32>
    tpu.vector_store %arg6[%swap3A_34, %swap3A_35], %swap3A_38 {strides = array<i32>} : memref<4x128xf32, #tpu.memory_space<vmem>>, vector<1x16xf32>,
    %broadcast_in_dim3A_39 = arith.constant 1.000000e+00 : f32
    %broadcast_in_dim3A_40 = vector.broadcast %broadcast_in_dim3A_39 : f32 to vector<16xf32>
    %swap3A_41 = arith.constant 0 : i32
    %swap3A_42 = arith.index_cast %swap3A_41 : i32 to index
    %swap3A_43 = arith.constant 80 : index
    %swap3A_44 = tpu.vector_load %arg6[%swap3A_42, %swap3A_43] {strides = array<i32>} : memref<4x128xf32, #tpu.memory_space<vmem>>, vector<1x16xf32>,
    %swap3A_45 = vector.shape_cast %swap3A_44 : vector<1x16xf32> to vector<16xf32>
    %swap3A_46 = vector.shape_cast %broadcast_in_dim3A_40 : vector<16xf32> to vector<1x16xf32>
    tpu.vector_store %arg6[%swap3A_42, %swap3A_43], %swap3A_46 {strides = array<i32>} : memref<4x128xf32, #tpu.memory_space<vmem>>, vector<1x16xf32>,
    %broadcast_in_dim3A_47 = arith.constant 1.000000e+00 : f32
    %broadcast_in_dim3A_48 = vector.broadcast %broadcast_in_dim3A_47 : f32 to vector<16xf32>
    %swap3A_49 = arith.constant 0 : i32
    %swap3A_50 = arith.index_cast %swap3A_49 : i32 to index
    %swap3A_51 = arith.constant 96 : index
    %swap3A_52 = tpu.vector_load %arg6[%swap3A_50, %swap3A_51] {strides = array<i32>} : memref<4x128xf32, #tpu.memory_space<vmem>>, vector<1x16xf32>,
    %swap3A_53 = vector.shape_cast %swap3A_52 : vector<1x16xf32> to vector<16xf32>
    %swap3A_54 = vector.shape_cast %broadcast_in_dim3A_48 : vector<16xf32> to vector<1x16xf32>
    tpu.vector_store %arg6[%swap3A_50, %swap3A_51], %swap3A_54 {strides = array<i32>} : memref<4x128xf32, #tpu.memory_space<vmem>>, vector<1x16xf32>,
    %broadcast_in_dim3A_55 = arith.constant 1.000000e+00 : f32
    %broadcast_in_dim3A_56 = vector.broadcast %broadcast_in_dim3A_55 : f32 to vector<16xf32>
    %swap3A_57 = arith.constant 0 : i32
    %swap3A_58 = arith.index_cast %swap3A_57 : i32 to index
    %swap3A_59 = arith.constant 112 : index
    %swap3A_60 = tpu.vector_load %arg6[%swap3A_58, %swap3A_59] {strides = array<i32>} : memref<4x128xf32, #tpu.memory_space<vmem>>, vector<1x16xf32>,
    %swap3A_61 = vector.shape_cast %swap3A_60 : vector<1x16xf32> to vector<16xf32>
    %swap3A_62 = vector.shape_cast %broadcast_in_dim3A_56 : vector<16xf32> to vector<1x16xf32>
    tpu.vector_store %arg6[%swap3A_58, %swap3A_59], %swap3A_62 {strides = array<i32>} : memref<4x128xf32, #tpu.memory_space<vmem>>, vector<1x16xf32>,
    %broadcast_in_dim3A_63 = arith.constant 1.000000e+00 : f32
    %broadcast_in_dim3A_64 = vector.broadcast %broadcast_in_dim3A_63 : f32 to vector<16xf32>
    %swap3A_65 = arith.constant 1 : i32
    %swap3A_66 = arith.index_cast %swap3A_65 : i32 to index
    %swap3A_67 = arith.constant 0 : index
    %swap3A_68 = tpu.vector_load %arg6[%swap3A_66, %swap3A_67] {strides = array<i32>} : memref<4x128xf32, #tpu.memory_space<vmem>>, vector<1x16xf32>,
    %swap3A_69 = vector.shape_cast %swap3A_68 : vector<1x16xf32> to vector<16xf32>
    %swap3A_70 = vector.shape_cast %broadcast_in_dim3A_64 : vector<16xf32> to vector<1x16xf32>
    tpu.vector_store %arg6[%swap3A_66, %swap3A_67], %swap3A_70 {strides = array<i32>} : memref<4x128xf32, #tpu.memory_space<vmem>>, vector<1x16xf32>,
    %broadcast_in_dim3A_71 = arith.constant 1.000000e+00 : f32
    %broadcast_in_dim3A_72 = vector.broadcast %broadcast_in_dim3A_71 : f32 to vector<16xf32>
    %swap3A_73 = arith.constant 1 : i32
    %swap3A_74 = arith.index_cast %swap3A_73 : i32 to index
    %swap3A_75 = arith.constant 16 : index
    %swap3A_76 = tpu.vector_load %arg6[%swap3A_74, %swap3A_75] {strides = array<i32>} : memref<4x128xf32, #tpu.memory_space<vmem>>, vector<1x16xf32>,
    %swap3A_77 = vector.shape_cast %swap3A_76 : vector<1x16xf32> to vector<16xf32>
    %swap3A_78 = vector.shape_cast %broadcast_in_dim3A_72 : vector<16xf32> to vector<1x16xf32>
    tpu.vector_store %arg6[%swap3A_74, %swap3A_75], %swap3A_78 {strides = array<i32>} : memref<4x128xf32, #tpu.memory_space<vmem>>, vector<1x16xf32>,
    %broadcast_in_dim3A_79 = arith.constant 1.000000e+00 : f32
    %broadcast_in_dim3A_80 = vector.broadcast %broadcast_in_dim3A_79 : f32 to vector<16xf32>
    %swap3A_81 = arith.constant 1 : i32
    %swap3A_82 = arith.index_cast %swap3A_81 : i32 to index
    %swap3A_83 = arith.constant 32 : index
    %swap3A_84 = tpu.vector_load %arg6[%swap3A_82, %swap3A_83] {strides = array<i32>} : memref<4x128xf32, #tpu.memory_space<vmem>>, vector<1x16xf32>,
    %swap3A_85 = vector.shape_cast %swap3A_84 : vector<1x16xf32> to vector<16xf32>
    %swap3A_86 = vector.shape_cast %broadcast_in_dim3A_80 : vector<16xf32> to vector<1x16xf32>
    tpu.vector_store %arg6[%swap3A_82, %swap3A_83], %swap3A_86 {strides = array<i32>} : memref<4x128xf32, #tpu.memory_space<vmem>>, vector<1x16xf32>,
    %broadcast_in_dim3A_87 = arith.constant 1.000000e+00 : f32
    %broadcast_in_dim3A_88 = vector.broadcast %broadcast_in_dim3A_87 : f32 to vector<16xf32>
    %swap3A_89 = arith.constant 1 : i32
    %swap3A_90 = arith.index_cast %swap3A_89 : i32 to index
    %swap3A_91 = arith.constant 48 : index
    %swap3A_92 = tpu.vector_load %arg6[%swap3A_90, %swap3A_91] {strides = array<i32>} : memref<4x128xf32, #tpu.memory_space<vmem>>, vector<1x16xf32>,
    %swap3A_93 = vector.shape_cast %swap3A_92 : vector<1x16xf32> to vector<16xf32>
    %swap3A_94 = vector.shape_cast %broadcast_in_dim3A_88 : vector<16xf32> to vector<1x16xf32>
    tpu.vector_store %arg6[%swap3A_90, %swap3A_91], %swap3A_94 {strides = array<i32>} : memref<4x128xf32, #tpu.memory_space<vmem>>, vector<1x16xf32>,
    %broadcast_in_dim3A_95 = arith.constant 1.000000e+00 : f32
    %broadcast_in_dim3A_96 = vector.broadcast %broadcast_in_dim3A_95 : f32 to vector<16xf32>
    %swap3A_97 = arith.constant 1 : i32
    %swap3A_98 = arith.index_cast %swap3A_97 : i32 to index
    %swap3A_99 = arith.constant 64 : index
    %swap3A_100 = tpu.vector_load %arg6[%swap3A_98, %swap3A_99] {strides = array<i32>} : memref<4x128xf32, #tpu.memory_space<vmem>>, vector<1x16xf32>,
    %swap3A_101 = vector.shape_cast %swap3A_100 : vector<1x16xf32> to vector<16xf32>
    %swap3A_102 = vector.shape_cast %broadcast_in_dim3A_96 : vector<16xf32> to vector<1x16xf32>
    tpu.vector_store %arg6[%swap3A_98, %swap3A_99], %swap3A_102 {strides = array<i32>} : memref<4x128xf32, #tpu.memory_space<vmem>>, vector<1x16xf32>,
    %broadcast_in_dim3A_103 = arith.constant 1.000000e+00 : f32
    %broadcast_in_dim3A_104 = vector.broadcast %broadcast_in_dim3A_103 : f32 to vector<16xf32>
    %swap3A_105 = arith.constant 1 : i32
    %swap3A_106 = arith.index_cast %swap3A_105 : i32 to index
    %swap3A_107 = arith.constant 80 : index
    %swap3A_108 = tpu.vector_load %arg6[%swap3A_106, %swap3A_107] {strides = array<i32>} : memref<4x128xf32, #tpu.memory_space<vmem>>, vector<1x16xf32>,
    %swap3A_109 = vector.shape_cast %swap3A_108 : vector<1x16xf32> to vector<16xf32>
    %swap3A_110 = vector.shape_cast %broadcast_in_dim3A_104 : vector<16xf32> to vector<1x16xf32>
    tpu.vector_store %arg6[%swap3A_106, %swap3A_107], %swap3A_110 {strides = array<i32>} : memref<4x128xf32, #tpu.memory_space<vmem>>, vector<1x16xf32>,
    %broadcast_in_dim3A_111 = arith.constant 1.000000e+00 : f32
    %broadcast_in_dim3A_112 = vector.broadcast %broadcast_in_dim3A_111 : f32 to vector<16xf32>
    %swap3A_113 = arith.constant 1 : i32
    %swap3A_114 = arith.index_cast %swap3A_113 : i32 to index
    %swap3A_115 = arith.constant 96 : index
    %swap3A_116 = tpu.vector_load %arg6[%swap3A_114, %swap3A_115] {strides = array<i32>} : memref<4x128xf32, #tpu.memory_space<vmem>>, vector<1x16xf32>,
    %swap3A_117 = vector.shape_cast %swap3A_116 : vector<1x16xf32> to vector<16xf32>
    %swap3A_118 = vector.shape_cast %broadcast_in_dim3A_112 : vector<16xf32> to vector<1x16xf32>
    tpu.vector_store %arg6[%swap3A_114, %swap3A_115], %swap3A_118 {strides = array<i32>} : memref<4x128xf32, #tpu.memory_space<vmem>>, vector<1x16xf32>,
    %broadcast_in_dim3A_119 = arith.constant 1.000000e+00 : f32
    %broadcast_in_dim3A_120 = vector.broadcast %broadcast_in_dim3A_119 : f32 to vector<16xf32>
    %swap3A_121 = arith.constant 1 : i32
    %swap3A_122 = arith.index_cast %swap3A_121 : i32 to index
    %swap3A_123 = arith.constant 112 : index
    %swap3A_124 = tpu.vector_load %arg6[%swap3A_122, %swap3A_123] {strides = array<i32>} : memref<4x128xf32, #tpu.memory_space<vmem>>, vector<1x16xf32>,
    %swap3A_125 = vector.shape_cast %swap3A_124 : vector<1x16xf32> to vector<16xf32>
    %swap3A_126 = vector.shape_cast %broadcast_in_dim3A_120 : vector<16xf32> to vector<1x16xf32>
    tpu.vector_store %arg6[%swap3A_122, %swap3A_123], %swap3A_126 {strides = array<i32>} : memref<4x128xf32, #tpu.memory_space<vmem>>, vector<1x16xf32>,
    %broadcast_in_dim3A_127 = arith.constant 1.000000e+00 : f32
    %broadcast_in_dim3A_128 = vector.broadcast %broadcast_in_dim3A_127 : f32 to vector<16xf32>
    %swap3A_129 = arith.constant 2 : i32
    %swap3A_130 = arith.index_cast %swap3A_129 : i32 to index
    %swap3A_131 = arith.constant 0 : index
    %swap3A_132 = tpu.vector_load %arg6[%swap3A_130, %swap3A_131] {strides = array<i32>} : memref<4x128xf32, #tpu.memory_space<vmem>>, vector<1x16xf32>,
    %swap3A_133 = vector.shape_cast %swap3A_132 : vector<1x16xf32> to vector<16xf32>
    %swap3A_134 = vector.shape_cast %broadcast_in_dim3A_128 : vector<16xf32> to vector<1x16xf32>
    tpu.vector_store %arg6[%swap3A_130, %swap3A_131], %swap3A_134 {strides = array<i32>} : memref<4x128xf32, #tpu.memory_space<vmem>>, vector<1x16xf32>,
    %broadcast_in_dim3A_135 = arith.constant 1.000000e+00 : f32
    %broadcast_in_dim3A_136 = vector.broadcast %broadcast_in_dim3A_135 : f32 to vector<16xf32>
    %swap3A_137 = arith.constant 2 : i32
    %swap3A_138 = arith.index_cast %swap3A_137 : i32 to index
    %swap3A_139 = arith.constant 16 : index
    %swap3A_140 = tpu.vector_load %arg6[%swap3A_138, %swap3A_139] {strides = array<i32>} : memref<4x128xf32, #tpu.memory_space<vmem>>, vector<1x16xf32>,
    %swap3A_141 = vector.shape_cast %swap3A_140 : vector<1x16xf32> to vector<16xf32>
    %swap3A_142 = vector.shape_cast %broadcast_in_dim3A_136 : vector<16xf32> to vector<1x16xf32>
    tpu.vector_store %arg6[%swap3A_138, %swap3A_139], %swap3A_142 {strides = array<i32>} : memref<4x128xf32, #tpu.memory_space<vmem>>, vector<1x16xf32>,
    %broadcast_in_dim3A_143 = arith.constant 1.000000e+00 : f32
    %broadcast_in_dim3A_144 = vector.broadcast %broadcast_in_dim3A_143 : f32 to vector<16xf32>
    %swap3A_145 = arith.constant 2 : i32
    %swap3A_146 = arith.index_cast %swap3A_145 : i32 to index
    %swap3A_147 = arith.constant 32 : index
    %swap3A_148 = tpu.vector_load %arg6[%swap3A_146, %swap3A_147] {strides = array<i32>} : memref<4x128xf32, #tpu.memory_space<vmem>>, vector<1x16xf32>,
    %swap3A_149 = vector.shape_cast %swap3A_148 : vector<1x16xf32> to vector<16xf32>
    %swap3A_150 = vector.shape_cast %broadcast_in_dim3A_144 : vector<16xf32> to vector<1x16xf32>
    tpu.vector_store %arg6[%swap3A_146, %swap3A_147], %swap3A_150 {strides = array<i32>} : memref<4x128xf32, #tpu.memory_space<vmem>>, vector<1x16xf32>,
    %broadcast_in_dim3A_151 = arith.constant 1.000000e+00 : f32
    %broadcast_in_dim3A_152 = vector.broadcast %broadcast_in_dim3A_151 : f32 to vector<16xf32>
    %swap3A_153 = arith.constant 2 : i32
    %swap3A_154 = arith.index_cast %swap3A_153 : i32 to index
    %swap3A_155 = arith.constant 48 : index
    %swap3A_156 = tpu.vector_load %arg6[%swap3A_154, %swap3A_155] {strides = array<i32>} : memref<4x128xf32, #tpu.memory_space<vmem>>, vector<1x16xf32>,
    %swap3A_157 = vector.shape_cast %swap3A_156 : vector<1x16xf32> to vector<16xf32>
    %swap3A_158 = vector.shape_cast %broadcast_in_dim3A_152 : vector<16xf32> to vector<1x16xf32>
    tpu.vector_store %arg6[%swap3A_154, %swap3A_155], %swap3A_158 {strides = array<i32>} : memref<4x128xf32, #tpu.memory_space<vmem>>, vector<1x16xf32>,
    %broadcast_in_dim3A_159 = arith.constant 1.000000e+00 : f32
    %broadcast_in_dim3A_160 = vector.broadcast %broadcast_in_dim3A_159 : f32 to vector<16xf32>
    %swap3A_161 = arith.constant 2 : i32
    %swap3A_162 = arith.index_cast %swap3A_161 : i32 to index
    %swap3A_163 = arith.constant 64 : index
    %swap3A_164 = tpu.vector_load %arg6[%swap3A_162, %swap3A_163] {strides = array<i32>} : memref<4x128xf32, #tpu.memory_space<vmem>>, vector<1x16xf32>,
    %swap3A_165 = vector.shape_cast %swap3A_164 : vector<1x16xf32> to vector<16xf32>
    %swap3A_166 = vector.shape_cast %broadcast_in_dim3A_160 : vector<16xf32> to vector<1x16xf32>
    tpu.vector_store %arg6[%swap3A_162, %swap3A_163], %swap3A_166 {strides = array<i32>} : memref<4x128xf32, #tpu.memory_space<vmem>>, vector<1x16xf32>,
    %broadcast_in_dim3A_167 = arith.constant 1.000000e+00 : f32
    %broadcast_in_dim3A_168 = vector.broadcast %broadcast_in_dim3A_167 : f32 to vector<16xf32>
    %swap3A_169 = arith.constant 2 : i32
    %swap3A_170 = arith.index_cast %swap3A_169 : i32 to index
    %swap3A_171 = arith.constant 80 : index
    %swap3A_172 = tpu.vector_load %arg6[%swap3A_170, %swap3A_171] {strides = array<i32>} : memref<4x128xf32, #tpu.memory_space<vmem>>, vector<1x16xf32>,
    %swap3A_173 = vector.shape_cast %swap3A_172 : vector<1x16xf32> to vector<16xf32>
    %swap3A_174 = vector.shape_cast %broadcast_in_dim3A_168 : vector<16xf32> to vector<1x16xf32>
    tpu.vector_store %arg6[%swap3A_170, %swap3A_171], %swap3A_174 {strides = array<i32>} : memref<4x128xf32, #tpu.memory_space<vmem>>, vector<1x16xf32>,
    %broadcast_in_dim3A_175 = arith.constant 1.000000e+00 : f32
    %broadcast_in_dim3A_176 = vector.broadcast %broadcast_in_dim3A_175 : f32 to vector<16xf32>
    %swap3A_177 = arith.constant 2 : i32
    %swap3A_178 = arith.index_cast %swap3A_177 : i32 to index
    %swap3A_179 = arith.constant 96 : index
    %swap3A_180 = tpu.vector_load %arg6[%swap3A_178, %swap3A_179] {strides = array<i32>} : memref<4x128xf32, #tpu.memory_space<vmem>>, vector<1x16xf32>,
    %swap3A_181 = vector.shape_cast %swap3A_180 : vector<1x16xf32> to vector<16xf32>
    %swap3A_182 = vector.shape_cast %broadcast_in_dim3A_176 : vector<16xf32> to vector<1x16xf32>
    tpu.vector_store %arg6[%swap3A_178, %swap3A_179], %swap3A_182 {strides = array<i32>} : memref<4x128xf32, #tpu.memory_space<vmem>>, vector<1x16xf32>,
    %broadcast_in_dim3A_183 = arith.constant 1.000000e+00 : f32
    %broadcast_in_dim3A_184 = vector.broadcast %broadcast_in_dim3A_183 : f32 to vector<16xf32>
    %swap3A_185 = arith.constant 2 : i32
    %swap3A_186 = arith.index_cast %swap3A_185 : i32 to index
    %swap3A_187 = arith.constant 112 : index
    %swap3A_188 = tpu.vector_load %arg6[%swap3A_186, %swap3A_187] {strides = array<i32>} : memref<4x128xf32, #tpu.memory_space<vmem>>, vector<1x16xf32>,
    %swap3A_189 = vector.shape_cast %swap3A_188 : vector<1x16xf32> to vector<16xf32>
    %swap3A_190 = vector.shape_cast %broadcast_in_dim3A_184 : vector<16xf32> to vector<1x16xf32>
    tpu.vector_store %arg6[%swap3A_186, %swap3A_187], %swap3A_190 {strides = array<i32>} : memref<4x128xf32, #tpu.memory_space<vmem>>, vector<1x16xf32>,
    %broadcast_in_dim3A_191 = arith.constant 1.000000e+00 : f32
    %broadcast_in_dim3A_192 = vector.broadcast %broadcast_in_dim3A_191 : f32 to vector<16xf32>
    %swap3A_193 = arith.constant 3 : i32
    %swap3A_194 = arith.index_cast %swap3A_193 : i32 to index
    %swap3A_195 = arith.constant 0 : index
    %swap3A_196 = tpu.vector_load %arg6[%swap3A_194, %swap3A_195] {strides = array<i32>} : memref<4x128xf32, #tpu.memory_space<vmem>>, vector<1x16xf32>,
    %swap3A_197 = vector.shape_cast %swap3A_196 : vector<1x16xf32> to vector<16xf32>
    %swap3A_198 = vector.shape_cast %broadcast_in_dim3A_192 : vector<16xf32> to vector<1x16xf32>
    tpu.vector_store %arg6[%swap3A_194, %swap3A_195], %swap3A_198 {strides = array<i32>} : memref<4x128xf32, #tpu.memory_space<vmem>>, vector<1x16xf32>,
    %broadcast_in_dim3A_199 = arith.constant 1.000000e+00 : f32
    %broadcast_in_dim3A_200 = vector.broadcast %broadcast_in_dim3A_199 : f32 to vector<16xf32>
    %swap3A_201 = arith.constant 3 : i32
    %swap3A_202 = arith.index_cast %swap3A_201 : i32 to index
    %swap3A_203 = arith.constant 16 : index
    %swap3A_204 = tpu.vector_load %arg6[%swap3A_202, %swap3A_203] {strides = array<i32>} : memref<4x128xf32, #tpu.memory_space<vmem>>, vector<1x16xf32>,
    %swap3A_205 = vector.shape_cast %swap3A_204 : vector<1x16xf32> to vector<16xf32>
    %swap3A_206 = vector.shape_cast %broadcast_in_dim3A_200 : vector<16xf32> to vector<1x16xf32>
    tpu.vector_store %arg6[%swap3A_202, %swap3A_203], %swap3A_206 {strides = array<i32>} : memref<4x128xf32, #tpu.memory_space<vmem>>, vector<1x16xf32>,
    %broadcast_in_dim3A_207 = arith.constant 1.000000e+00 : f32
    %broadcast_in_dim3A_208 = vector.broadcast %broadcast_in_dim3A_207 : f32 to vector<16xf32>
    %swap3A_209 = arith.constant 3 : i32
    %swap3A_210 = arith.index_cast %swap3A_209 : i32 to index
    %swap3A_211 = arith.constant 32 : index
    %swap3A_212 = tpu.vector_load %arg6[%swap3A_210, %swap3A_211] {strides = array<i32>} : memref<4x128xf32, #tpu.memory_space<vmem>>, vector<1x16xf32>,
    %swap3A_213 = vector.shape_cast %swap3A_212 : vector<1x16xf32> to vector<16xf32>
    %swap3A_214 = vector.shape_cast %broadcast_in_dim3A_208 : vector<16xf32> to vector<1x16xf32>
    tpu.vector_store %arg6[%swap3A_210, %swap3A_211], %swap3A_214 {strides = array<i32>} : memref<4x128xf32, #tpu.memory_space<vmem>>, vector<1x16xf32>,
    %broadcast_in_dim3A_215 = arith.constant 1.000000e+00 : f32
    %broadcast_in_dim3A_216 = vector.broadcast %broadcast_in_dim3A_215 : f32 to vector<16xf32>
    %swap3A_217 = arith.constant 3 : i32
    %swap3A_218 = arith.index_cast %swap3A_217 : i32 to index
    %swap3A_219 = arith.constant 48 : index
    %swap3A_220 = tpu.vector_load %arg6[%swap3A_218, %swap3A_219] {strides = array<i32>} : memref<4x128xf32, #tpu.memory_space<vmem>>, vector<1x16xf32>,
    %swap3A_221 = vector.shape_cast %swap3A_220 : vector<1x16xf32> to vector<16xf32>
    %swap3A_222 = vector.shape_cast %broadcast_in_dim3A_216 : vector<16xf32> to vector<1x16xf32>
    tpu.vector_store %arg6[%swap3A_218, %swap3A_219], %swap3A_222 {strides = array<i32>} : memref<4x128xf32, #tpu.memory_space<vmem>>, vector<1x16xf32>,
    %broadcast_in_dim3A_223 = arith.constant 1.000000e+00 : f32
    %broadcast_in_dim3A_224 = vector.broadcast %broadcast_in_dim3A_223 : f32 to vector<16xf32>
    %swap3A_225 = arith.constant 3 : i32
    %swap3A_226 = arith.index_cast %swap3A_225 : i32 to index
    %swap3A_227 = arith.constant 64 : index
    %swap3A_228 = tpu.vector_load %arg6[%swap3A_226, %swap3A_227] {strides = array<i32>} : memref<4x128xf32, #tpu.memory_space<vmem>>, vector<1x16xf32>,
    %swap3A_229 = vector.shape_cast %swap3A_228 : vector<1x16xf32> to vector<16xf32>
    %swap3A_230 = vector.shape_cast %broadcast_in_dim3A_224 : vector<16xf32> to vector<1x16xf32>
    tpu.vector_store %arg6[%swap3A_226, %swap3A_227], %swap3A_230 {strides = array<i32>} : memref<4x128xf32, #tpu.memory_space<vmem>>, vector<1x16xf32>,
    %broadcast_in_dim3A_231 = arith.constant 1.000000e+00 : f32
    %broadcast_in_dim3A_232 = vector.broadcast %broadcast_in_dim3A_231 : f32 to vector<16xf32>
    %swap3A_233 = arith.constant 3 : i32
    %swap3A_234 = arith.index_cast %swap3A_233 : i32 to index
    %swap3A_235 = arith.constant 80 : index
    %swap3A_236 = tpu.vector_load %arg6[%swap3A_234, %swap3A_235] {strides = array<i32>} : memref<4x128xf32, #tpu.memory_space<vmem>>, vector<1x16xf32>,
    %swap3A_237 = vector.shape_cast %swap3A_236 : vector<1x16xf32> to vector<16xf32>
    %swap3A_238 = vector.shape_cast %broadcast_in_dim3A_232 : vector<16xf32> to vector<1x16xf32>
    tpu.vector_store %arg6[%swap3A_234, %swap3A_235], %swap3A_238 {strides = array<i32>} : memref<4x128xf32, #tpu.memory_space<vmem>>, vector<1x16xf32>,
    %broadcast_in_dim3A_239 = arith.constant 1.000000e+00 : f32
    %broadcast_in_dim3A_240 = vector.broadcast %broadcast_in_dim3A_239 : f32 to vector<16xf32>
    %swap3A_241 = arith.constant 3 : i32
    %swap3A_242 = arith.index_cast %swap3A_241 : i32 to index
    %swap3A_243 = arith.constant 96 : index
    %swap3A_244 = tpu.vector_load %arg6[%swap3A_242, %swap3A_243] {strides = array<i32>} : memref<4x128xf32, #tpu.memory_space<vmem>>, vector<1x16xf32>,
    %swap3A_245 = vector.shape_cast %swap3A_244 : vector<1x16xf32> to vector<16xf32>
    %swap3A_246 = vector.shape_cast %broadcast_in_dim3A_240 : vector<16xf32> to vector<1x16xf32>
    tpu.vector_store %arg6[%swap3A_242, %swap3A_243], %swap3A_246 {strides = array<i32>} : memref<4x128xf32, #tpu.memory_space<vmem>>, vector<1x16xf32>,
    %broadcast_in_dim3A_247 = arith.constant 1.000000e+00 : f32
    %broadcast_in_dim3A_248 = vector.broadcast %broadcast_in_dim3A_247 : f32 to vector<16xf32>
    %swap3A_249 = arith.constant 3 : i32
    %swap3A_250 = arith.index_cast %swap3A_249 : i32 to index
    %swap3A_251 = arith.constant 112 : index
    %swap3A_252 = tpu.vector_load %arg6[%swap3A_250, %swap3A_251] {strides = array<i32>} : memref<4x128xf32, #tpu.memory_space<vmem>>, vector<1x16xf32>,
    %swap3A_253 = vector.shape_cast %swap3A_252 : vector<1x16xf32> to vector<16xf32>
    %swap3A_254 = vector.shape_cast %broadcast_in_dim3A_248 : vector<16xf32> to vector<1x16xf32>
    tpu.vector_store %arg6[%swap3A_250, %swap3A_251], %swap3A_254 {strides = array<i32>} : memref<4x128xf32, #tpu.memory_space<vmem>>, vector<1x16xf32>,
    %mul3A_255 = arith.constant 65536 : i32
    %mul3A_256 = arith.muli %arg1, %mul3A_255 : i32
    %mul3A_257 = arith.constant 65536 : i32
    %mul3A_258 = arith.muli %arg1, %mul3A_257 : i32
    "tpu.region"() ({
      %run_scoped3A_271 = tpu.sem_alloc : memref<!tpu.dma_semaphore, #tpu.memory_space<semaphore_mem>>
      %dma_start3A = tpu.memref_slice %arg7[%mul3A_258] : memref<1048576xf32, #tpu.memory_space<vmem_shared>> -> memref<65536xf32, #tpu.memory_space<vmem_shared>>
      %dma_start3A_272 = tpu.memref_slice %arg3[%arg0, %mul3A_256] : memref<2x1048576xf32, #tpu.memory_space<hbm>> -> memref<1x65536xf32, #tpu.memory_space<hbm>>
      %dma_start3A_273 = tpu.memref_squeeze %dma_start3A_272 : memref<1x65536xf32, #tpu.memory_space<hbm>> -> memref<65536xf32, #tpu.memory_space<hbm>>
      tpu.enqueue_dma source(%dma_start3A_273 : memref<65536xf32, #tpu.memory_space<hbm>>) target(%dma_start3A : memref<65536xf32, #tpu.memory_space<vmem_shared>>) target_semaphore(%run_scoped3A_271 : memref<!tpu.dma_semaphore, #tpu.memory_space<semaphore_mem>>)
      %dma_wait3A = tpu.memref_slice %arg7[%mul3A_258] : memref<1048576xf32, #tpu.memory_space<vmem_shared>> -> memref<65536xf32, #tpu.memory_space<vmem_shared>>
      %dma_wait3A_274 = tpu.memref_slice %arg3[%arg0, %mul3A_256] : memref<2x1048576xf32, #tpu.memory_space<hbm>> -> memref<1x65536xf32, #tpu.memory_space<hbm>>
      %dma_wait3A_275 = tpu.memref_squeeze %dma_wait3A_274 : memref<1x65536xf32, #tpu.memory_space<hbm>> -> memref<65536xf32, #tpu.memory_space<hbm>>
      tpu.wait_dma2 semaphore(%run_scoped3A_271 : memref<!tpu.dma_semaphore, #tpu.memory_space<semaphore_mem>>) src(%dma_wait3A_275 : memref<65536xf32, #tpu.memory_space<hbm>>) dst(%dma_wait3A : memref<65536xf32, #tpu.memory_space<vmem_shared>>)
      tpu.yield
    }) : () -> ()
    %barrier3A = arith.constant 0 : index
    tpu.barrier barrier_id(%barrier3A)
    %run_scoped3A = arith.constant 0 : i32
    %run_scoped3A_259 = arith.constant 0 : i32
    "tpu.region"() ({
      %run_scoped3A_271 = tpu.sem_alloc : memref<!tpu.dma_semaphore, #tpu.memory_space<semaphore_mem>>
      %dma_start3A = arith.constant 0 : i32
      %dma_start3A_272 = tpu.memref_slice %arg6[%run_scoped3A, %dma_start3A] : memref<4x128xf32, #tpu.memory_space<vmem>> -> memref<1x128xf32, #tpu.memory_space<vmem>>
      %dma_start3A_273 = tpu.memref_squeeze %dma_start3A_272 : memref<1x128xf32, #tpu.memory_space<vmem>> -> memref<128xf32, #tpu.memory_space<vmem>>
      %dma_start3A_274 = arith.constant 0 : i32
      %dma_start3A_275 = tpu.memref_slice %arg5[%run_scoped3A_259, %dma_start3A_274] : memref<4x128xi32, #tpu.memory_space<vmem>> -> memref<1x128xi32, #tpu.memory_space<vmem>>
      %dma_start3A_276 = tpu.memref_squeeze %dma_start3A_275 : memref<1x128xi32, #tpu.memory_space<vmem>> -> memref<128xi32, #tpu.memory_space<vmem>>
      %dma_start3A_277 = arith.constant 0 : i32
      %dma_start3A_278 = tpu.memref_slice %arg7[%dma_start3A_277] : memref<1048576xf32, #tpu.memory_space<vmem_shared>> -> memref<1048576xf32, #tpu.memory_space<vmem_shared>>
      tpu.enqueue_indirect_dma source(%dma_start3A_273 : memref<128xf32, #tpu.memory_space<vmem>>) target(%dma_start3A_278 : memref<1048576xf32, #tpu.memory_space<vmem_shared>>) offsets(%dma_start3A_276 : memref<128xi32, #tpu.memory_space<vmem>>) semaphore(%run_scoped3A_271 : memref<!tpu.dma_semaphore, #tpu.memory_space<semaphore_mem>>) {add = true}
      %dma_wait3A = arith.constant 0 : i32
      %dma_wait3A_279 = tpu.memref_slice %arg6[%run_scoped3A, %dma_wait3A] : memref<4x128xf32, #tpu.memory_space<vmem>> -> memref<1x128xf32, #tpu.memory_space<vmem>>
      %dma_wait3A_280 = tpu.memref_squeeze %dma_wait3A_279 : memref<1x128xf32, #tpu.memory_space<vmem>> -> memref<128xf32, #tpu.memory_space<vmem>>
      %dma_wait3A_281 = arith.constant 0 : i32
      %dma_wait3A_282 = tpu.memref_slice %arg5[%run_scoped3A_259, %dma_wait3A_281] : memref<4x128xi32, #tpu.memory_space<vmem>> -> memref<1x128xi32, #tpu.memory_space<vmem>>
      %dma_wait3A_283 = tpu.memref_squeeze %dma_wait3A_282 : memref<1x128xi32, #tpu.memory_space<vmem>> -> memref<128xi32, #tpu.memory_space<vmem>>
      %dma_wait3A_284 = arith.constant 0 : i32
      %dma_wait3A_285 = tpu.memref_slice %arg7[%dma_wait3A_284] : memref<1048576xf32, #tpu.memory_space<vmem_shared>> -> memref<1048576xf32, #tpu.memory_space<vmem_shared>>
      tpu.wait_indirect_dma semaphore(%run_scoped3A_271 : memref<!tpu.dma_semaphore, #tpu.memory_space<semaphore_mem>>) src(%dma_wait3A_280 : memref<128xf32, #tpu.memory_space<vmem>>) dst(%dma_wait3A_285 : memref<1048576xf32, #tpu.memory_space<vmem_shared>>)
      tpu.yield
    }) : () -> ()
    %run_scoped3A_260 = arith.constant 1 : i32
    %run_scoped3A_261 = arith.constant 1 : i32
    "tpu.region"() ({
      %run_scoped3A_271 = tpu.sem_alloc : memref<!tpu.dma_semaphore, #tpu.memory_space<semaphore_mem>>
      %dma_start3A = arith.constant 0 : i32
      %dma_start3A_272 = tpu.memref_slice %arg6[%run_scoped3A_260, %dma_start3A] : memref<4x128xf32, #tpu.memory_space<vmem>> -> memref<1x128xf32, #tpu.memory_space<vmem>>
      %dma_start3A_273 = tpu.memref_squeeze %dma_start3A_272 : memref<1x128xf32, #tpu.memory_space<vmem>> -> memref<128xf32, #tpu.memory_space<vmem>>
      %dma_start3A_274 = arith.constant 0 : i32
      %dma_start3A_275 = tpu.memref_slice %arg5[%run_scoped3A_261, %dma_start3A_274] : memref<4x128xi32, #tpu.memory_space<vmem>> -> memref<1x128xi32, #tpu.memory_space<vmem>>
      %dma_start3A_276 = tpu.memref_squeeze %dma_start3A_275 : memref<1x128xi32, #tpu.memory_space<vmem>> -> memref<128xi32, #tpu.memory_space<vmem>>
      %dma_start3A_277 = arith.constant 0 : i32
      %dma_start3A_278 = tpu.memref_slice %arg7[%dma_start3A_277] : memref<1048576xf32, #tpu.memory_space<vmem_shared>> -> memref<1048576xf32, #tpu.memory_space<vmem_shared>>
      tpu.enqueue_indirect_dma source(%dma_start3A_273 : memref<128xf32, #tpu.memory_space<vmem>>) target(%dma_start3A_278 : memref<1048576xf32, #tpu.memory_space<vmem_shared>>) offsets(%dma_start3A_276 : memref<128xi32, #tpu.memory_space<vmem>>) semaphore(%run_scoped3A_271 : memref<!tpu.dma_semaphore, #tpu.memory_space<semaphore_mem>>) {add = true}
      %dma_wait3A = arith.constant 0 : i32
      %dma_wait3A_279 = tpu.memref_slice %arg6[%run_scoped3A_260, %dma_wait3A] : memref<4x128xf32, #tpu.memory_space<vmem>> -> memref<1x128xf32, #tpu.memory_space<vmem>>
      %dma_wait3A_280 = tpu.memref_squeeze %dma_wait3A_279 : memref<1x128xf32, #tpu.memory_space<vmem>> -> memref<128xf32, #tpu.memory_space<vmem>>
      %dma_wait3A_281 = arith.constant 0 : i32
      %dma_wait3A_282 = tpu.memref_slice %arg5[%run_scoped3A_261, %dma_wait3A_281] : memref<4x128xi32, #tpu.memory_space<vmem>> -> memref<1x128xi32, #tpu.memory_space<vmem>>
      %dma_wait3A_283 = tpu.memref_squeeze %dma_wait3A_282 : memref<1x128xi32, #tpu.memory_space<vmem>> -> memref<128xi32, #tpu.memory_space<vmem>>
      %dma_wait3A_284 = arith.constant 0 : i32
      %dma_wait3A_285 = tpu.memref_slice %arg7[%dma_wait3A_284] : memref<1048576xf32, #tpu.memory_space<vmem_shared>> -> memref<1048576xf32, #tpu.memory_space<vmem_shared>>
      tpu.wait_indirect_dma semaphore(%run_scoped3A_271 : memref<!tpu.dma_semaphore, #tpu.memory_space<semaphore_mem>>) src(%dma_wait3A_280 : memref<128xf32, #tpu.memory_space<vmem>>) dst(%dma_wait3A_285 : memref<1048576xf32, #tpu.memory_space<vmem_shared>>)
      tpu.yield
    }) : () -> ()
    %run_scoped3A_262 = arith.constant 2 : i32
    %run_scoped3A_263 = arith.constant 2 : i32
    "tpu.region"() ({
      %run_scoped3A_271 = tpu.sem_alloc : memref<!tpu.dma_semaphore, #tpu.memory_space<semaphore_mem>>
      %dma_start3A = arith.constant 0 : i32
      %dma_start3A_272 = tpu.memref_slice %arg6[%run_scoped3A_262, %dma_start3A] : memref<4x128xf32, #tpu.memory_space<vmem>> -> memref<1x128xf32, #tpu.memory_space<vmem>>
      %dma_start3A_273 = tpu.memref_squeeze %dma_start3A_272 : memref<1x128xf32, #tpu.memory_space<vmem>> -> memref<128xf32, #tpu.memory_space<vmem>>
      %dma_start3A_274 = arith.constant 0 : i32
      %dma_start3A_275 = tpu.memref_slice %arg5[%run_scoped3A_263, %dma_start3A_274] : memref<4x128xi32, #tpu.memory_space<vmem>> -> memref<1x128xi32, #tpu.memory_space<vmem>>
      %dma_start3A_276 = tpu.memref_squeeze %dma_start3A_275 : memref<1x128xi32, #tpu.memory_space<vmem>> -> memref<128xi32, #tpu.memory_space<vmem>>
      %dma_start3A_277 = arith.constant 0 : i32
      %dma_start3A_278 = tpu.memref_slice %arg7[%dma_start3A_277] : memref<1048576xf32, #tpu.memory_space<vmem_shared>> -> memref<1048576xf32, #tpu.memory_space<vmem_shared>>
      tpu.enqueue_indirect_dma source(%dma_start3A_273 : memref<128xf32, #tpu.memory_space<vmem>>) target(%dma_start3A_278 : memref<1048576xf32, #tpu.memory_space<vmem_shared>>) offsets(%dma_start3A_276 : memref<128xi32, #tpu.memory_space<vmem>>) semaphore(%run_scoped3A_271 : memref<!tpu.dma_semaphore, #tpu.memory_space<semaphore_mem>>) {add = true}
      %dma_wait3A = arith.constant 0 : i32
      %dma_wait3A_279 = tpu.memref_slice %arg6[%run_scoped3A_262, %dma_wait3A] : memref<4x128xf32, #tpu.memory_space<vmem>> -> memref<1x128xf32, #tpu.memory_space<vmem>>
      %dma_wait3A_280 = tpu.memref_squeeze %dma_wait3A_279 : memref<1x128xf32, #tpu.memory_space<vmem>> -> memref<128xf32, #tpu.memory_space<vmem>>
      %dma_wait3A_281 = arith.constant 0 : i32
      %dma_wait3A_282 = tpu.memref_slice %arg5[%run_scoped3A_263, %dma_wait3A_281] : memref<4x128xi32, #tpu.memory_space<vmem>> -> memref<1x128xi32, #tpu.memory_space<vmem>>
      %dma_wait3A_283 = tpu.memref_squeeze %dma_wait3A_282 : memref<1x128xi32, #tpu.memory_space<vmem>> -> memref<128xi32, #tpu.memory_space<vmem>>
      %dma_wait3A_284 = arith.constant 0 : i32
      %dma_wait3A_285 = tpu.memref_slice %arg7[%dma_wait3A_284] : memref<1048576xf32, #tpu.memory_space<vmem_shared>> -> memref<1048576xf32, #tpu.memory_space<vmem_shared>>
      tpu.wait_indirect_dma semaphore(%run_scoped3A_271 : memref<!tpu.dma_semaphore, #tpu.memory_space<semaphore_mem>>) src(%dma_wait3A_280 : memref<128xf32, #tpu.memory_space<vmem>>) dst(%dma_wait3A_285 : memref<1048576xf32, #tpu.memory_space<vmem_shared>>)
      tpu.yield
    }) : () -> ()
    %run_scoped3A_264 = arith.constant 3 : i32
    %run_scoped3A_265 = arith.constant 3 : i32
    "tpu.region"() ({
      %run_scoped3A_271 = tpu.sem_alloc : memref<!tpu.dma_semaphore, #tpu.memory_space<semaphore_mem>>
      %dma_start3A = arith.constant 0 : i32
      %dma_start3A_272 = tpu.memref_slice %arg6[%run_scoped3A_264, %dma_start3A] : memref<4x128xf32, #tpu.memory_space<vmem>> -> memref<1x128xf32, #tpu.memory_space<vmem>>
      %dma_start3A_273 = tpu.memref_squeeze %dma_start3A_272 : memref<1x128xf32, #tpu.memory_space<vmem>> -> memref<128xf32, #tpu.memory_space<vmem>>
      %dma_start3A_274 = arith.constant 0 : i32
      %dma_start3A_275 = tpu.memref_slice %arg5[%run_scoped3A_265, %dma_start3A_274] : memref<4x128xi32, #tpu.memory_space<vmem>> -> memref<1x128xi32, #tpu.memory_space<vmem>>
      %dma_start3A_276 = tpu.memref_squeeze %dma_start3A_275 : memref<1x128xi32, #tpu.memory_space<vmem>> -> memref<128xi32, #tpu.memory_space<vmem>>
      %dma_start3A_277 = arith.constant 0 : i32
      %dma_start3A_278 = tpu.memref_slice %arg7[%dma_start3A_277] : memref<1048576xf32, #tpu.memory_space<vmem_shared>> -> memref<1048576xf32, #tpu.memory_space<vmem_shared>>
      tpu.enqueue_indirect_dma source(%dma_start3A_273 : memref<128xf32, #tpu.memory_space<vmem>>) target(%dma_start3A_278 : memref<1048576xf32, #tpu.memory_space<vmem_shared>>) offsets(%dma_start3A_276 : memref<128xi32, #tpu.memory_space<vmem>>) semaphore(%run_scoped3A_271 : memref<!tpu.dma_semaphore, #tpu.memory_space<semaphore_mem>>) {add = true}
      %dma_wait3A = arith.constant 0 : i32
      %dma_wait3A_279 = tpu.memref_slice %arg6[%run_scoped3A_264, %dma_wait3A] : memref<4x128xf32, #tpu.memory_space<vmem>> -> memref<1x128xf32, #tpu.memory_space<vmem>>
      %dma_wait3A_280 = tpu.memref_squeeze %dma_wait3A_279 : memref<1x128xf32, #tpu.memory_space<vmem>> -> memref<128xf32, #tpu.memory_space<vmem>>
      %dma_wait3A_281 = arith.constant 0 : i32
      %dma_wait3A_282 = tpu.memref_slice %arg5[%run_scoped3A_265, %dma_wait3A_281] : memref<4x128xi32, #tpu.memory_space<vmem>> -> memref<1x128xi32, #tpu.memory_space<vmem>>
      %dma_wait3A_283 = tpu.memref_squeeze %dma_wait3A_282 : memref<1x128xi32, #tpu.memory_space<vmem>> -> memref<128xi32, #tpu.memory_space<vmem>>
      %dma_wait3A_284 = arith.constant 0 : i32
      %dma_wait3A_285 = tpu.memref_slice %arg7[%dma_wait3A_284] : memref<1048576xf32, #tpu.memory_space<vmem_shared>> -> memref<1048576xf32, #tpu.memory_space<vmem_shared>>
      tpu.wait_indirect_dma semaphore(%run_scoped3A_271 : memref<!tpu.dma_semaphore, #tpu.memory_space<semaphore_mem>>) src(%dma_wait3A_280 : memref<128xf32, #tpu.memory_space<vmem>>) dst(%dma_wait3A_285 : memref<1048576xf32, #tpu.memory_space<vmem_shared>>)
      tpu.yield
    }) : () -> ()
    %barrier3A_266 = arith.constant 0 : index
    tpu.barrier barrier_id(%barrier3A_266)
    %mul3A_267 = arith.constant 65536 : i32
    %mul3A_268 = arith.muli %arg1, %mul3A_267 : i32
    %mul3A_269 = arith.constant 65536 : i32
    %mul3A_270 = arith.muli %arg1, %mul3A_269 : i32
    "tpu.region"() ({
      %run_scoped3A_271 = tpu.sem_alloc : memref<!tpu.dma_semaphore, #tpu.memory_space<semaphore_mem>>
      %dma_start3A = tpu.memref_slice %arg4[%arg0, %mul3A_270] : memref<2x1048576xf32, #tpu.memory_space<hbm>> -> memref<1x65536xf32, #tpu.memory_space<hbm>>
      %dma_start3A_272 = tpu.memref_squeeze %dma_start3A : memref<1x65536xf32, #tpu.memory_space<hbm>> -> memref<65536xf32, #tpu.memory_space<hbm>>
      %dma_start3A_273 = tpu.memref_slice %arg7[%mul3A_268] : memref<1048576xf32, #tpu.memory_space<vmem_shared>> -> memref<65536xf32, #tpu.memory_space<vmem_shared>>
      tpu.enqueue_dma source(%dma_start3A_273 : memref<65536xf32, #tpu.memory_space<vmem_shared>>) target(%dma_start3A_272 : memref<65536xf32, #tpu.memory_space<hbm>>) target_semaphore(%run_scoped3A_271 : memref<!tpu.dma_semaphore, #tpu.memory_space<semaphore_mem>>)
      %dma_wait3A = tpu.memref_slice %arg4[%arg0, %mul3A_270] : memref<2x1048576xf32, #tpu.memory_space<hbm>> -> memref<1x65536xf32, #tpu.memory_space<hbm>>
      %dma_wait3A_274 = tpu.memref_squeeze %dma_wait3A : memref<1x65536xf32, #tpu.memory_space<hbm>> -> memref<65536xf32, #tpu.memory_space<hbm>>
      %dma_wait3A_275 = tpu.memref_slice %arg7[%mul3A_268] : memref<1048576xf32, #tpu.memory_space<vmem_shared>> -> memref<65536xf32, #tpu.memory_space<vmem_shared>>
      tpu.wait_dma2 semaphore(%run_scoped3A_271 : memref<!tpu.dma_semaphore, #tpu.memory_space<semaphore_mem>>) src(%dma_wait3A_275 : memref<65536xf32, #tpu.memory_space<vmem_shared>>) dst(%dma_wait3A_274 : memref<65536xf32, #tpu.memory_space<hbm>>)
      tpu.yield
    }) : () -> ()
    return
  }
}

module attributes {stable_mosaic.version = 14 : i64} {
  func.func @mv_kernel(%arg0: i32, %arg1: memref<64x23808xf32, #tpu.memory_space<vmem>>, %arg2: memref<2x23808xf32, #tpu.memory_space<vmem>>, %arg3: memref<64x1xf32, #tpu.memory_space<vmem>>) attributes {dimension_semantics = [#tpu.dimension_semantics<arbitrary>], iteration_bounds = array<i64: 42>, scalar_prefetch = 0 : i64, scratch_operands = 0 : i64, tpu.core_type = #tpu.core_type<tc>, window_params = [{transform_indices = @transform_0, window_bounds = array<i64: 64, 23808>}, {transform_indices = @transform_1, window_bounds = array<i64: 2, 23808>}, {pipeline_mode = #tpu.pipeline_mode<synchronous>, transform_indices = @transform_2, window_bounds = array<i64: 64, 1>}]} {
    %eq3A = arith.constant 0 : i32
    %eq3A_0 = arith.cmpi eq, %arg0, %eq3A : i32
    %convert_element_type3A = arith.extui %eq3A_0 : i1 to i32
    %cond3A = arith.constant 0 : i32
    %cond3A_1 = arith.cmpi ne, %convert_element_type3A, %cond3A : i32
    scf.if %cond3A_1 {
      %broadcast_in_dim3A_18 = arith.constant 0.000000e+00 : f32
      %broadcast_in_dim3A_19 = vector.broadcast %broadcast_in_dim3A_18 : f32 to vector<64x1xf32>
      %swap3A_20 = arith.constant 0 : index
      %swap3A_21 = arith.constant 0 : index
      %swap3A_22 = vector.load %arg3[%swap3A_20, %swap3A_21] : memref<64x1xf32, #tpu.memory_space<vmem>>, vector<64x1xf32>
      tpu.vector_store %arg3[%swap3A_20, %swap3A_21], %broadcast_in_dim3A_19 {strides = array<i32>} : memref<64x1xf32, #tpu.memory_space<vmem>>, vector<64x1xf32>,
    } else {
    }
    %get3A = arith.constant 0 : index
    %get3A_2 = arith.constant 0 : index
    %get3A_3 = vector.load %arg2[%get3A, %get3A_2] : memref<2x23808xf32, #tpu.memory_space<vmem>>, vector<1x23808xf32>
    %get3A_4 = arith.constant 1 : index
    %get3A_5 = arith.constant 0 : index
    %get3A_6 = vector.load %arg2[%get3A_4, %get3A_5] : memref<2x23808xf32, #tpu.memory_space<vmem>>, vector<1x23808xf32>
    %add3A = arith.addf %get3A_3, %get3A_6 : vector<1x23808xf32>
    %get3A_7 = arith.constant 0 : index
    %get3A_8 = arith.constant 0 : index
    %get3A_9 = vector.load %arg3[%get3A_7, %get3A_8] : memref<64x1xf32, #tpu.memory_space<vmem>>, vector<64x1xf32>
    %get3A_10 = arith.constant 0 : index
    %get3A_11 = arith.constant 0 : index
    %get3A_12 = vector.load %arg1[%get3A_10, %get3A_11] : memref<64x23808xf32, #tpu.memory_space<vmem>>, vector<64x23808xf32>
    %mul3A = vector.broadcast %add3A : vector<1x23808xf32> to vector<64x23808xf32>
    %mul3A_13 = arith.mulf %get3A_12, %mul3A : vector<64x23808xf32>
    %reduce_sum3A = arith.constant dense<0.000000e+00> : vector<64xf32>
    %reduce_sum3A_14 = vector.multi_reduction <add>, %mul3A_13, %reduce_sum3A [1] : vector<64x23808xf32> to vector<64xf32>
    %broadcast_in_dim3A = vector.shape_cast %reduce_sum3A_14 : vector<64xf32> to vector<64x1xf32>
    %add3A_15 = arith.addf %get3A_9, %broadcast_in_dim3A : vector<64x1xf32>
    %swap3A = arith.constant 0 : index
    %swap3A_16 = arith.constant 0 : index
    %swap3A_17 = vector.load %arg3[%swap3A, %swap3A_16] : memref<64x1xf32, #tpu.memory_space<vmem>>, vector<64x1xf32>
    tpu.vector_store %arg3[%swap3A, %swap3A_16], %add3A_15 {strides = array<i32>} : memref<64x1xf32, #tpu.memory_space<vmem>>, vector<64x1xf32>,
    return
  }
  func.func @transform_0(%arg0: i32) -> (i32, i32) {
    %c0_i32 = arith.constant 0 : i32
    %c0_i32_0 = arith.constant 0 : i32
    return %c0_i32, %arg0 : i32, i32
  }
  func.func @transform_1(%arg0: i32) -> (i32, i32) {
    %c0_i32 = arith.constant 0 : i32
    %c0_i32_0 = arith.constant 0 : i32
    return %c0_i32, %arg0 : i32, i32
  }
  func.func @transform_2(%arg0: i32) -> (i32, i32) {
    %c0_i32 = arith.constant 0 : i32
    %c0_i32_0 = arith.constant 0 : i32
    %c0_i32_1 = arith.constant 0 : i32
    return %c0_i32, %c0_i32_0 : i32, i32
  }
}

module attributes {stable_mosaic.version = 14 : i64} {
  func.func @mlp_kernel(%arg0: memref<1x64xf32, #tpu.memory_space<vmem>>, %arg1: memref<64x256xf32, #tpu.memory_space<vmem>>, %arg2: memref<1x256xf32, #tpu.memory_space<vmem>>, %arg3: memref<256x2xf32, #tpu.memory_space<vmem>>, %arg4: memref<1x2xf32, #tpu.memory_space<vmem>>, %arg5: memref<1x2xf32, #tpu.memory_space<vmem>>) attributes {dimension_semantics = [], scalar_prefetch = 0 : i64, scratch_operands = 0 : i64, tpu.core_type = #tpu.core_type<tc>} {
    %get3A = arith.constant 0 : index
    %get3A_0 = arith.constant 0 : index
    %get3A_1 = vector.load %arg0[%get3A, %get3A_0] : memref<1x64xf32, #tpu.memory_space<vmem>>, vector<1x64xf32>
    %reduce_sum3A = arith.constant dense<0.000000e+00> : vector<64xf32>
    %reduce_sum3A_2 = vector.multi_reduction <add>, %get3A_1, %reduce_sum3A [0] : vector<1x64xf32> to vector<64xf32>
    %broadcast_in_dim3A = vector.shape_cast %reduce_sum3A_2 : vector<64xf32> to vector<1x64xf32>
    %mul3A = arith.constant 6.10351563E-5 : f32
    %mul3A_3 = vector.broadcast %mul3A : f32 to vector<1x64xf32>
    %mul3A_4 = arith.mulf %broadcast_in_dim3A, %mul3A_3 : vector<1x64xf32>
    %get3A_5 = arith.constant 0 : index
    %get3A_6 = arith.constant 0 : index
    %get3A_7 = vector.load %arg1[%get3A_5, %get3A_6] : memref<64x256xf32, #tpu.memory_space<vmem>>, vector<64x256xf32>
    %dot_general3A = arith.constant dense<0.000000e+00> : vector<1x256xf32>
    %dot_general3A_8 = tpu.matmul %mul3A_4, %get3A_7, %dot_general3A {dimension_numbers = #tpu.dot_dimension_numbers<[1], [0], [0], [1], [0, 0, 1, 1], [], []>, transpose_lhs_hint = false} : vector<1x64xf32>, vector<64x256xf32>, vector<1x256xf32> -> vector<1x256xf32>
    %get3A_9 = arith.constant 0 : index
    %get3A_10 = arith.constant 0 : index
    %get3A_11 = vector.load %arg2[%get3A_9, %get3A_10] : memref<1x256xf32, #tpu.memory_space<vmem>>, vector<1x256xf32>
    %add3A = arith.addf %dot_general3A_8, %get3A_11 : vector<1x256xf32>
    %max3A = arith.constant 0.000000e+00 : f32
    %max3A_12 = vector.broadcast %max3A : f32 to vector<1x256xf32>
    %max3A_13 = arith.maximumf %add3A, %max3A_12 : vector<1x256xf32>
    %get3A_14 = arith.constant 0 : index
    %get3A_15 = arith.constant 0 : index
    %get3A_16 = vector.load %arg3[%get3A_14, %get3A_15] : memref<256x2xf32, #tpu.memory_space<vmem>>, vector<256x2xf32>
    %dot_general3A_17 = arith.constant dense<0.000000e+00> : vector<1x2xf32>
    %dot_general3A_18 = tpu.matmul %max3A_13, %get3A_16, %dot_general3A_17 {dimension_numbers = #tpu.dot_dimension_numbers<[1], [0], [0], [1], [0, 0, 1, 1], [], []>, transpose_lhs_hint = false} : vector<1x256xf32>, vector<256x2xf32>, vector<1x2xf32> -> vector<1x2xf32>
    %get3A_19 = arith.constant 0 : index
    %get3A_20 = arith.constant 0 : index
    %get3A_21 = vector.load %arg4[%get3A_19, %get3A_20] : memref<1x2xf32, #tpu.memory_space<vmem>>, vector<1x2xf32>
    %add3A_22 = arith.addf %dot_general3A_18, %get3A_21 : vector<1x2xf32>
    %swap3A = arith.constant 0 : index
    %swap3A_23 = arith.constant 0 : index
    %swap3A_24 = vector.load %arg5[%swap3A, %swap3A_23] : memref<1x2xf32, #tpu.memory_space<vmem>>, vector<1x2xf32>
    tpu.vector_store %arg5[%swap3A, %swap3A_23], %add3A_22 {strides = array<i32>} : memref<1x2xf32, #tpu.memory_space<vmem>>, vector<1x2xf32>,
    return
  }
}

</mosaic_0001>

<sc_bundles>
// kernel: kernel.5.cloned.1.call-start
scs
__scs_entry_jumppad:
0x0: {  	(pc) =	sbr.rel $0x88, $3  }
0x1: {  	(tag) =	ssettag $0x0;
	lr =	simm.s32 $0x1  }
0x2: {  	[smem:$0x3F9B] =	sst lr;
	_ =	strace $0xD0000000  }
0x3: {  	_ = 	snop  }
0x4: {  	_ = 	snop  }
0x5: {  	_ = 	snop  }
0x6: {  	_ = 	snop  }
0x7: {  	_ = 	snop  }
__scs_overlays_trampoline_lowered:
0x8: {  	[smem:$0x3FAA] =	sst s0  }
0x9: {  	[smem:$0x3FAB] =	sst s1  }
0xa: {  	[smem:$0x3FAC] =	sst s2  }
0xb: {  	[smem:$0x3FAD] =	sst s3  }
0xc: {  	[smem:$0x3FAE] =	sst s4  }
0xd: {  	[smem:$0x3FAF] =	sst s5  }
0xe: {  	[smem:$0x3FB0] =	sst s6  }
0xf: {  	[smem:$0x3FB1] =	sst s7  }
0x10: {  	[smem:$0x3FB2] =	sst s8  }
0x11: {  	[smem:$0x3FB3] =	sst s9;
	s0 =	simm.s32 @!p0 $0x0  }
0x12: {  	s1 =	sld [smem:$0x3F99];
	s0 =	simm.s32 @p0 $0x1  }
0x13: {  	[smem:$0x3FB4] =	sst s0;
	s0 =	simm.s32 @!p1 $0x0  }
0x14: {  	s2 =	sld [smem:$0x3F98];
	s0 =	simm.s32 @p1 $0x1  }
0x15: {  	[smem:$0x3FB5] =	sst s0;
	s0 =	simm.s32 @!p2 $0x0  }
0x16: {  	s3 =	sld [smem:$0x3FDB];
	s0 =	simm.s32 @p2 $0x1  }
0x17: {  	s4 =	simm.s32 $0x1BF5;
	[smem:$0x3FB7] =	sst s0  }
0x18: {  	s0 =	sld [smem:$0x3F9A];
	_ =	swait.ge [sflag:s4], $0x0  }
0x19: {  	s7 =	sld [smem:$0x3F9B]  }
0x1a: {  	s8 =	sadd.s32 $0xFFFFE003, lr  }
0x1b: {  	s9 =	sadd.s32 $0xFFFFFEF7, lr;
	s5 =	simm.s32 $0xFFFFFFFF;
	p2 =	slt.u32 s8, $0xFFFFF086  }
0x1c: {  	p1 =	slt.u32 s9, $0xF7A;
	s5 =	simm.s32 @!p2 $0x0  }
0x1d: {  	s5 =	simm.s32 @p1 $0x1;
	p0 =	seq.s32 s7, s2  }
0x1e: {  	s7 =	smul.u32 @!p0 $0xF7A, s2;
	p2 =	seq.s32 @!p0 s5, $0x0  }
0x1f: {  	s9 =	smul.u32 $0xF7A, s1;
	s8 =	simm.s32 @!p0 $0x1BF5;
	p2 =	por !p2, p0  }
0x20: {  	[sflag:s8] =	ssyncset.s32 @!p0 $0xFFFFF086;
	s6 =	sadd.s32 @!p0 s3, s7;
	s7 =	simm.s32 @!p0 $0x108  }
0x21: {  	s3 =	sadd.s32 s3, s9;
	s6 =	sadd.s32 @!p0 $0x88, s6;
	s7 =	simm.s32 @p2 $0x1082  }
0x22: {  	[simem:s7], [sflag:s8] =	dma.local @!p0 [hbm:s6], $0xF7A  }
0x23: {  	s9 =	sor.u32 $0xD0000000, s2;
	s6 =	simm.s32 $0x108;
	_ =	swait.ge @!p0 [sflag:s8], $0x0  }
0x24: {  	s3 =	sadd.s32 $0x88, s3;
	s6 =	simm.s32 @!p1 $0x1082;
	[sflag:s4] =	ssyncset.s32 $0xFFFFF086  }
0x25: {  	[simem:s6], [sflag:s4] =	dma.local [hbm:s3], $0xF7A  }
0x26: {  	[smem:$0x3F9B] =	sst s1;
	(tag) =	ssettag s2;
	_ =	strace s9  }
0x27: {  	s1 =	sld [smem:$0x3FAB]  }
0x28: {  	s2 =	sld [smem:$0x3FAC]  }
0x29: {  	s4 =	sld [smem:$0x3FAE]  }
0x2a: {  	p0 =	seq.s32 s5, $0x0;
	s5 =	sld [smem:$0x3FAF]  }
0x2b: {  	s6 =	sld [smem:$0x3FB0]  }
0x2c: {  	s7 =	sld [smem:$0x3FB1]  }
0x2d: {  	s3 =	simm.s32 $0x108;
	s8 =	sld [smem:$0x3FB2]  }
0x2e: {  	s3 =	simm.s32 @!p0 $0x1082;
	s9 =	sld [smem:$0x3FB3]  }
0x2f: {  	lr =	sadd.s32 s0, s3;
	s0 =	sld [smem:$0x3FAA]  }
0x30: {  	s3 =	sld [smem:$0x3FAD]  }
0x31: {  	[smem:$0x3FB6] =	sst s10  }
0x32: {  	s10 =	sld [smem:$0x3FB4];
	_ =	sdelay $0x3  }
0x33: {  	p0 =	seq.s32 s10, $0x1;
	s10 =	sld [smem:$0x3FB6];
	_ =	sdelay $0x3  }
0x34: {  	[smem:$0x3FB6] =	sst s10  }
0x35: {  	s10 =	sld [smem:$0x3FB5];
	_ =	sdelay $0x3  }
0x36: {  	p1 =	seq.s32 s10, $0x1;
	s10 =	sld [smem:$0x3FB6];
	_ =	sdelay $0x3  }
0x37: {  	[smem:$0x3FB6] =	sst s10  }
0x38: {  	s10 =	sld [smem:$0x3FB7]  }
0x39: {  	_ = 	snop;
	(pc) =	sbr.ind lr, $3  }
0x3a: {  	_ = 	snop  }
0x3b: {  	_ = 	snop  }
0x3c: {  	p2 =	seq.s32 s10, $0x1;
	s10 =	sld [smem:$0x3FB6]  }
0x3d: {  	_ =	shalt  }
0x3e: {  	_ =	shalt  }
0x3f: {  	_ =	shalt  }
0x40: {  	_ =	shalt  }
0x41: {  	_ =	shalt  }
0x42: {  	_ =	shalt  }
0x43: {  	_ =	shalt  }
0x44: {  	_ =	shalt  }
0x45: {  	_ =	shalt  }
0x46: {  	_ =	shalt  }
0x47: {  	_ =	shalt  }
0x48: {  	_ =	shalt  }
0x49: {  	_ =	shalt  }
0x4a: {  	_ =	shalt  }
0x4b: {  	_ =	shalt  }
0x4c: {  	_ =	shalt  }
0x4d: {  	_ =	shalt  }
0x4e: {  	_ =	shalt  }
0x4f: {  	_ =	shalt  }
0x50: {  	_ =	shalt  }
0x51: {  	_ =	shalt  }
0x52: {  	_ =	shalt  }
0x53: {  	_ =	shalt  }
0x54: {  	_ =	shalt  }
0x55: {  	_ =	shalt  }
0x56: {  	_ =	shalt  }
0x57: {  	_ =	shalt  }
0x58: {  	_ =	shalt  }
0x59: {  	_ =	shalt  }
0x5a: {  	_ =	shalt  }
0x5b: {  	_ =	shalt  }
0x5c: {  	_ =	shalt  }
0x5d: {  	_ =	shalt  }
0x5e: {  	_ =	shalt  }
0x5f: {  	_ =	shalt  }
0x60: {  	_ =	shalt  }
0x61: {  	_ =	shalt  }
0x62: {  	_ =	shalt  }
0x63: {  	_ =	shalt  }
0x64: {  	_ =	shalt  }
0x65: {  	_ =	shalt  }
0x66: {  	_ =	shalt  }
0x67: {  	_ =	shalt  }
0x68: {  	_ =	shalt  }
0x69: {  	_ =	shalt  }
0x6a: {  	_ =	shalt  }
0x6b: {  	_ =	shalt  }
0x6c: {  	_ =	shalt  }
0x6d: {  	_ =	shalt  }
0x6e: {  	_ =	shalt  }
0x6f: {  	_ =	shalt  }
0x70: {  	_ =	shalt  }
0x71: {  	_ =	shalt  }
0x72: {  	_ =	shalt  }
0x73: {  	_ =	shalt  }
0x74: {  	_ =	shalt  }
0x75: {  	_ =	shalt  }
0x76: {  	_ =	shalt  }
0x77: {  	_ =	shalt  }
0x78: {  	_ =	shalt  }
0x79: {  	_ =	shalt  }
0x7a: {  	_ =	shalt  }
0x7b: {  	_ =	shalt  }
0x7c: {  	_ =	shalt  }
0x7d: {  	_ =	shalt  }
0x7e: {  	_ =	shalt  }
0x7f: {  	_ =	shalt  }
0x80: {  	_ =	shalt  }
0x81: {  	_ =	shalt  }
0x82: {  	_ =	shalt  }
0x83: {  	_ =	shalt  }
0x84: {  	_ =	shalt  }
0x85: {  	_ =	shalt  }
0x86: {  	_ =	shalt  }
0x87: {  	_ =	shalt  }
.Lfunc_end0:
.L_simem_size_0:
called_computation_lowered:
.L_overlay_start_0:
0x88: {  	s2 =	sld [smem:$0x3FD9]  }
0x89: {  	s3 =	sld [smem:$0x3FFE];
	_ =	sdelay $0x1  }
0x8a: {  	s1 =	srdreg.scid  }
0x8b: {  	s0 =	sand.u32 $0x1, s1  }
0x8c: {  	s17 =	sshll.u32 s0, $0xA;
	s2 =	sadd.s32 s3, s2  }
0x8d: {  	s2 =	sadd.s32 s2, s17  }
0x8e: {  	[smem:$0x3FC2] =	sst s2  }
0x8f: {  	_ = 	snop  }
0x90: {  	s2 =	sld [smem:$0x3FC9];
	(tm) =	ssettm $0x1  }
0x91: {  	s18 =	sld [smem:$0x3FFB];
	_ =	sdelay $0x3  }
0x92: {  	_ =	strace s18  }
0x93: {  	s3 =	sld [smem:$0x3FFC];
	_ =	sdelay $0x3  }
0x94: {  	_ =	strace s3  }
0x95: {  	s3 =	sld [smem:$0x3FFD];
	_ =	sdelay $0x3  }
0x96: {  	_ =	strace s3  }
0x97: {  	_ =	strace $0x8FFFFFFF  }
0x98: {  	s19 =	sld [smem:$0x3FDB];
	_ =	sdelay $0x1  }
0x99: {  	s4 =	simm.s32 $_scs_section_size  }
0x9a: {  	s5 =	simm.s32 $_size__tile_overlayer_lowered;
	s6 =	simm.s32 $_tile_overlayer_lowered  }
0x9b: {  	s22 =	simm.s32 $0x1BFF;
	s21 =	sshll.u32 s6, $0x1;
	s3 =	sadd.s32 s4, s19  }
0x9c: {  	s7 =	simm.s32 $0x0;
	s20 =	sshll.u32 s5, $0x1;
	s5 =	sadd.s32 s21, s3  }
0x9d: {  	[timem:s7], [sflag:s22] =	dma.local [hbm:s5], s20  }
0x9e: {  	_ =	swait.ge [sflag:s22], s20  }
0x9f: {  	s4 =	ssub.s32 $0x0, s20;
	[sflag:s22] =	ssyncset.done $0x0  }
0xa0: {  	[sflag:s22] =	ssyncadd.s32 s4;
	_ =	sdelay $0x1  }
0xa1: {  	s23 =	simm.s32 $0x1B8B  }
0xa2: {  	_ =	swait.ge [sflag:s23], $0x1  }
0xa3: {  	[sflag:s23] =	ssyncset.done $0x0  }
0xa4: {  	s25 =	simm.s32 $0x1B8E;
	s24 =	sld [smem:$0x3FFE];
	[sflag:s23] =	ssyncadd.s32 $0xFFFFFFFF  }
0xa5: {  	s26 =	simm.s32 $execute0_lowered;
	[smem:$0x3FD2] =	sst s25  }
0xa6: {  	s5 =	sshll.u32 s26, $0x1;
	_ =	strace $0x80000046;
	[dreg:$0x1] =	wrdreg $0xFFFFFFFF  }
0xa7: {  	s28 =	simm.s32 $_size_execute0_lowered;
	s3 =	sadd.s32 s3, s5;
	[dreg:$0x0] =	wrdreg $0x0  }
0xa8: {  	s5 =	sshll.u32 s28, $0x1;
	[dreg:$0x2] =	wrdreg s3  }
0xa9: {  	[dreg:$0x3] =	wrdreg s5  }
0xaa: {  	[dreg:$0x4] =	wrdreg $0xC0  }
0xab: {  	_ =	task [dreg:s7], $0x5FFFF  }
0xac: {  	[dreg:$0x1] =	wrdreg $0xFFFFFFFF  }
0xad: {  	[dreg:$0x0] =	wrdreg $0x60  }
0xae: {  	[dreg:$0x2] =	wrdreg s2  }
0xaf: {  	[dreg:$0x3] =	wrdreg s24  }
0xb0: {  	[dreg:$0x4] =	wrdreg $0x4000  }
0xb1: {  	[dreg:$0x5] =	wrdreg $0x9  }
0xb2: {  	_ =	task.clear_ibuf [dreg:s7], $0x6FFFF;
	_ =	strace $0x90000046  }
0xb3: {  	s29 =	simm.s32 $0x9;
	_ =	strace $0x80000048  }
0xb4: {  	_ =	swait.ge [sflag:s29], $0x1  }
0xb5: {  	[sflag:s29] =	ssyncadd.s32 $0xFFFFFFFF  }
0xb6: {  	_ =	strace $0x90000048  }
0xb7: {  	_ =	sfence  }
0xb8: {  	s30 =	sld [smem:$0x0];
	_ =	sdelay $0x2  }
0xb9: {  	s31 =	sshll.u32 s1, $0xD;
	s1 =	sshrl.u32 s1, $0x2  }
0xba: {  	s3 =	sand.u32 $0x4000, s31;
	s1 =	sadd.s32 s1, s30  }
0xbb: {  	s0 =	sor.u32 s3, s0;
	s1 =	sshll.u32 s1, $0x11  }
0xbc: {  	s0 =	sor.u32 s1, s0  }
0xbd: {  	s0 =	sadd.s32 $0x8F2B, s0  }
0xbe: {  	[sflag:s0] =	ssyncadd.remote.s32 $0x1  }
0xbf: {  	_ =	sfence.sel $0xFFFF  }
0xc0: {  	[dreg:$0x0] =	wrdreg $0xFFFFFFFF;
	(pc) =	sbr.abs _section_cstart, $3  }
0xc1: {  	[dreg:$0x1] =	wrdreg $0xFFFFFFFF  }
0xc2: {  	_ =	task.clear_ibuf [dreg:s7], $0x2FFFF;
	_ =	strace $0x9FFFFFFF  }
0xc3: {  	(tm) =	ssettm $0x7FFFFFFF  }
tec
execute0_lowered:
.L_overlay_start_1:
0x0: {  	(tag) =	ssettag $0x1  }
0x1: {  	s3 =	rddreg [dreg:$0x0]  }
0x2: {  	s6 =	rddreg [dreg:$0x1]  }
0x3: {  	s2 =	rddreg [dreg:$0x2];
	s1 =	srdreg.scid  }
0x4: {  	s0 =	rddreg [dreg:$0x3];
	s7 =	sand.u32 $0x1, s1  }
0x5: {  	s4 =	simm.s32 $0x0;
	s1 =	stileid.u32;
	s5 =	sshll.u32 s7, $0x6  }
0x6: {  	[smem:$0x7FF] =	sst s4;
	s8 =	sshll.u32 s1, $0x7;
	s3 =	sadd.s32 s3, s5  }
0x7: {  	_ =	strace $0x80000047;
	s5 =	sadd.s32 s8, s3;
	s3 =	simm.s32 $0x1  }
0x8: {  	[tilespmem:s4], [sflag:$0x1] =	stream.linear.gather [hbm4b:s5+s4], $0x200, $0x38;
	[tilespmem:$0x10400] =	vst v63  }
0x9: {  	_ =	swait.ge [sflag:s3], $0x200  }
0xa: {  	[sflag:s3] =	ssyncset.done $0x0  }
0xb: {  	v0 =	vimm.f32 $1.000000000e+00;
	[sflag:s3] =	ssyncadd.s32 $0xFFFFFE00  }
0xc: {  	[tilespmem:$0x3F0] =	vst v0  }
0xd: {  	[tilespmem:$0x3E0] =	vst v0  }
0xe: {  	[tilespmem:$0x3D0] =	vst v0  }
0xf: {  	[tilespmem:$0x3C0] =	vst v0  }
0x10: {  	[tilespmem:$0x3B0] =	vst v0  }
0x11: {  	[tilespmem:$0x3A0] =	vst v0  }
0x12: {  	[tilespmem:$0x390] =	vst v0  }
0x13: {  	[tilespmem:$0x380] =	vst v0  }
0x14: {  	[tilespmem:$0x370] =	vst v0  }
0x15: {  	[tilespmem:$0x360] =	vst v0  }
0x16: {  	[tilespmem:$0x350] =	vst v0  }
0x17: {  	[tilespmem:$0x340] =	vst v0  }
0x18: {  	[tilespmem:$0x330] =	vst v0  }
0x19: {  	[tilespmem:$0x320] =	vst v0  }
0x1a: {  	[tilespmem:$0x310] =	vst v0  }
0x1b: {  	[tilespmem:$0x300] =	vst v0  }
0x1c: {  	s9 =	sshll.u32 s7, $0x4;
	s7 =	ssub.s32 $0x2, s7;
	[tilespmem:$0x2F0] =	vst v0  }
0x1d: {  	s29 =	sshrl.u32 s7, $0x1;
	[tilespmem:$0x2E0] =	vst v0  }
0x1e: {  	s10 =	simm.s32 $0x20;
	s11 =	simm.s32 $0x80;
	s7 =	ssub.s32 s7, s29;
	[tilespmem:$0x2D0] =	vst v0  }
0x1f: {  	s18 =	simm.s32 $0x200;
	s17 =	simm.s32 $0x280;
	s19 =	smax.u32 s7, $0x1;
	[tilespmem:$0x2C0] =	vst v0  }
0x20: {  	s13 =	simm.s32 $0x100;
	s15 =	simm.s32 $0x300;
	p0 =	sne.s32 s19, $0x1;
	[tilespmem:$0x2B0] =	vst v0  }
.Ltmp0:
0x21: {  	s14 =	simm.s32 $0x180;
	s28 =	sshll.u32 s1, $0xE;
	[tilespmem:$0x2A0] =	vst v0;
	(pc) =	sbr.rel @!p0 .LBB2_2-.Ltmp0, $4  }
0x22: {  	s16 =	simm.s32 $0x380;
	s30 =	sshll.u32 s1, $0x10;
	s8 =	sor.u32 s9, s28;
	[tilespmem:$0x290] =	vst v0  }
0x23: {  	s31 =	sshll.u32 s1, $0x6;
	s9 =	simm.s32 $0x10;
	s6 =	sadd.s32 s8, s6;
	[tilespmem:$0x280] =	vst v0  }
0x24: {  	s8 =	sadd.s32 s30, s2;
	s7 =	sor.u32 $0x1C01, s31;
	s12 =	sadd.s32 $0x400, s6;
	[tilespmem:$0x270] =	vst v0  }
0x25: {  	s6 =	sadd.s32 $0x40400, s6;
	s8 =	sshrl.u32 s8, $0x3;
	s19 =	sadd.s32 $0xFFFFFFFF, s19;
	[tilespmem:$0x260] =	vst v0  }
.LBB2_1:
0x26: {  	p0 =	sne.s32 s19, $0x1;
	s19 =	sadd.s32 $0xFFFFFFFF, s19;
	[tilespmem:$0x250] =	vst v0  }
0x27: {  	[tilespmem:$0x240] =	vst v0  }
0x28: {  	[tilespmem:$0x230] =	vst v0  }
0x29: {  	[tilespmem:$0x220] =	vst v0  }
0x2a: {  	[tilespmem:$0x200] =	vst v0  }
0x2b: {  	[tilespmem:$0x210] =	vst v0  }
0x2c: {  	[spmem:s8@s9], [sflag:s7] =	dma.strided [hbm:s12@s10], $0x2000, s3, $0x10   }
0x2d: {  	_ =	swait.ge [sflag:s3], $0x2000  }
0x2e: {  	[sflag:s3] =	ssyncset.done $0x0  }
0x2f: {  	[sflag:s3] =	ssyncadd.s32 $0xFFFFE000  }
0x30: {  	[bflag:$0x0] =	sbarrier.arrive $0xFFFF  }
0x31: {  	[spmem:s2] =	stream.indirect.scatter.add.f32 [tilespmem:s18], [sflag:$0x1], $0x1, s4, s11, $0xb8;
	[tilespmem:$0x10400] =	vst v63  }
0x32: {  	_ =	swait.ge [sflag:s3], $0x80  }
0x33: {  	[sflag:s3] =	ssyncset.done $0x0  }
0x34: {  	[sflag:s3] =	ssyncadd.s32 $0xFFFFFF80  }
0x35: {  	[spmem:s2] =	stream.indirect.scatter.add.f32 [tilespmem:s17], [sflag:$0x1], $0x1, s11, s11, $0xb8;
	[tilespmem:$0x10400] =	vst v63  }
0x36: {  	_ =	swait.ge [sflag:s3], $0x80  }
0x37: {  	[sflag:s3] =	ssyncset.done $0x0  }
0x38: {  	[sflag:s3] =	ssyncadd.s32 $0xFFFFFF80  }
0x39: {  	[spmem:s2] =	stream.indirect.scatter.add.f32 [tilespmem:s15], [sflag:$0x1], $0x1, s13, s11, $0xb8;
	[tilespmem:$0x10400] =	vst v63  }
0x3a: {  	_ =	swait.ge [sflag:s3], $0x80  }
0x3b: {  	[sflag:s3] =	ssyncset.done $0x0  }
0x3c: {  	[sflag:s3] =	ssyncadd.s32 $0xFFFFFF80  }
0x3d: {  	[spmem:s2] =	stream.indirect.scatter.add.f32 [tilespmem:s16], [sflag:$0x1], $0x1, s14, s11, $0xb8;
	[tilespmem:$0x10400] =	vst v63  }
0x3e: {  	_ =	swait.ge [sflag:s3], $0x80  }
0x3f: {  	[sflag:s3] =	ssyncset.done $0x0  }
0x40: {  	[sflag:s3] =	ssyncadd.s32 $0xFFFFFF80  }
0x41: {  	[bflag:$0x0] =	sbarrier.arrive $0xFFFF  }
0x42: {  	[hbm:s6@s10], [sflag:s7] =	dma.strided [spmem:s8@s9], $0x2000, s3, $0x10   }
0x43: {  	_ =	swait.ge [sflag:s3], $0x2000  }
0x44: {  	[sflag:s3] =	ssyncset.done $0x0  }
0x45: {  	[sflag:s3] =	ssyncadd.s32 $0xFFFFE000  }
0x46: {  	[tilespmem:s4], [sflag:$0x1] =	stream.linear.gather [hbm4b:s5+s4], $0x200, $0x38;
	[tilespmem:$0x10400] =	vst v63  }
0x47: {  	_ =	swait.ge [sflag:s3], $0x200  }
0x48: {  	[sflag:s3] =	ssyncset.done $0x0  }
0x49: {  	[sflag:s3] =	ssyncadd.s32 $0xFFFFFE00  }
0x4a: {  	[tilespmem:$0x3F0] =	vst v0  }
0x4b: {  	[tilespmem:$0x3E0] =	vst v0  }
0x4c: {  	[tilespmem:$0x3D0] =	vst v0  }
0x4d: {  	[tilespmem:$0x3C0] =	vst v0  }
0x4e: {  	[tilespmem:$0x3B0] =	vst v0  }
0x4f: {  	[tilespmem:$0x3A0] =	vst v0  }
0x50: {  	[tilespmem:$0x390] =	vst v0  }
0x51: {  	[tilespmem:$0x380] =	vst v0  }
0x52: {  	[tilespmem:$0x370] =	vst v0  }
0x53: {  	[tilespmem:$0x360] =	vst v0  }
0x54: {  	[tilespmem:$0x350] =	vst v0  }
0x55: {  	[tilespmem:$0x340] =	vst v0  }
0x56: {  	[tilespmem:$0x330] =	vst v0  }
0x57: {  	[tilespmem:$0x320] =	vst v0  }
0x58: {  	[tilespmem:$0x310] =	vst v0  }
0x59: {  	[tilespmem:$0x300] =	vst v0  }
0x5a: {  	[tilespmem:$0x2F0] =	vst v0  }
0x5b: {  	[tilespmem:$0x2E0] =	vst v0  }
0x5c: {  	[tilespmem:$0x2D0] =	vst v0  }
0x5d: {  	[tilespmem:$0x2C0] =	vst v0  }
0x5e: {  	[tilespmem:$0x2B0] =	vst v0  }
.Ltmp1:
0x5f: {  	[tilespmem:$0x2A0] =	vst v0;
	(pc) =	sbr.rel @p0 .LBB2_1-.Ltmp1, $4  }
0x60: {  	[tilespmem:$0x290] =	vst v0  }
0x61: {  	[tilespmem:$0x280] =	vst v0  }
0x62: {  	[tilespmem:$0x270] =	vst v0  }
0x63: {  	[tilespmem:$0x260] =	vst v0  }
.LBB2_2:
0x64: {  	[tilespmem:$0x250] =	vst v0  }
0x65: {  	[tilespmem:$0x240] =	vst v0  }
0x66: {  	[tilespmem:$0x230] =	vst v0  }
0x67: {  	[tilespmem:$0x220] =	vst v0  }
0x68: {  	[tilespmem:$0x200] =	vst v0  }
0x69: {  	[tilespmem:$0x210] =	vst v0  }
0x6a: {  	[spmem:s8@s9], [sflag:s7] =	dma.strided [hbm:s12@s10], $0x2000, s3, $0x10   }
0x6b: {  	_ =	swait.ge [sflag:s3], $0x2000  }
0x6c: {  	[sflag:s3] =	ssyncset.done $0x0  }
0x6d: {  	[sflag:s3] =	ssyncadd.s32 $0xFFFFE000  }
0x6e: {  	[bflag:$0x0] =	sbarrier.arrive $0xFFFF  }
0x6f: {  	[spmem:s2] =	stream.indirect.scatter.add.f32 [tilespmem:s18], [sflag:$0x1], $0x1, s4, s11, $0xb8;
	[tilespmem:$0x10400] =	vst v63  }
0x70: {  	_ =	swait.ge [sflag:s3], $0x80  }
0x71: {  	[sflag:s3] =	ssyncset.done $0x0  }
0x72: {  	[sflag:s3] =	ssyncadd.s32 $0xFFFFFF80  }
0x73: {  	[spmem:s2] =	stream.indirect.scatter.add.f32 [tilespmem:s17], [sflag:$0x1], $0x1, s11, s11, $0xb8;
	[tilespmem:$0x10400] =	vst v63  }
0x74: {  	_ =	swait.ge [sflag:s3], $0x80  }
0x75: {  	[sflag:s3] =	ssyncset.done $0x0  }
0x76: {  	[sflag:s3] =	ssyncadd.s32 $0xFFFFFF80  }
0x77: {  	[spmem:s2] =	stream.indirect.scatter.add.f32 [tilespmem:s15], [sflag:$0x1], $0x1, s13, s11, $0xb8;
	[tilespmem:$0x10400] =	vst v63  }
0x78: {  	_ =	swait.ge [sflag:s3], $0x80  }
0x79: {  	[sflag:s3] =	ssyncset.done $0x0  }
0x7a: {  	[sflag:s3] =	ssyncadd.s32 $0xFFFFFF80  }
0x7b: {  	[spmem:s2] =	stream.indirect.scatter.add.f32 [tilespmem:s16], [sflag:$0x1], $0x1, s14, s11, $0xb8;
	[tilespmem:$0x10400] =	vst v63  }
0x7c: {  	_ =	swait.ge [sflag:s3], $0x80  }
0x7d: {  	[sflag:s3] =	ssyncset.done $0x0  }
0x7e: {  	[sflag:s3] =	ssyncadd.s32 $0xFFFFFF80  }
0x7f: {  	[bflag:$0x0] =	sbarrier.arrive $0xFFFF  }
0x80: {  	[hbm:s6@s10], [sflag:s7] =	dma.strided [spmem:s8@s9], $0x2000, s3, $0x10   }
0x81: {  	_ =	swait.ge [sflag:s3], $0x2000  }
0x82: {  	[sflag:s3] =	ssyncset.done $0x0  }
0x83: {  	[sflag:s3] =	ssyncadd.s32 $0xFFFFE000  }
0x84: {  	_ =	sfence.sel $0x180000  }
0x85: {  	[bflag:$0x0] =	sbarrier.arrive $0xFFFF  }
0x86: {  	p0 =	sne.s32 s1, $0x0;
	_ =	strace $0x90000047  }
0x87: {  	s0 =	sadd.s32 @!p0 $0x100000, s0;
	[bflag:$0x2] =	sbarrier.arrive $0xFFFF  }
0x88: {  	[sflag:s0] =	ssyncadd.tile.s32 @!p0 $0x1;
	_ =	shalt  }
.Lfunc_end2:
_tile_overlayer_lowered:
.L_overlay_start_2:
0x89: {  	(tag) =	ssettag $0x2  }
0x8a: {  	s0 =	rddreg [dreg:$0x0];
	s2 =	stileid.u32  }
0x8b: {  	s1 =	rddreg [dreg:$0x1];
	p0 =	sne.s32 s2, $0x0  }
0x8c: {  	s3 =	rddreg [dreg:$0x2];
	[bflag:$0x3] =	sbarrier.arrive $0xFFFF;
	s2 =	simm.s32 @!p0 $0x1C01  }
0x8d: {  	[timem:s3], [sflag:s2] =	dma.local @!p0 [hbm:s0], s1  }
0x8e: {  	s0 =	simm.s32 @!p0 $0x1  }
0x8f: {  	_ =	swait.ge @!p0 [sflag:s0], s1  }
0x90: {  	s1 =	ssub.s32 @!p0 $0x0, s1;
	[sflag:s0] =	ssyncset.done @!p0 $0x0  }
0x91: {  	[sflag:s0] =	ssyncadd.s32 @!p0 s1  }
0x92: {  	[bflag:$0x3] =	sbarrier.arrive $0xFFFF  }
0x93: {  	_ =	shalt  }

</sc_bundles>
